<compile_context>
chip_gen: v7x
topology: tpu7x:2x2x1
jax: 0.10.2.dev20260603
libtpu: 0.0.44.dev20260713+nightly
codegen_flags: <defaults>
</compile_context>

<pallas_src>
import functools

import jax
import jax.numpy as jnp
from jax.experimental import pallas as pl
from jax.experimental.pallas import tpu as pltpu
from jax.experimental.pallas import tpu_sc as plsc

F32 = jnp.float32
BF16 = jnp.bfloat16
SD = 1024
GD = 512
AD = 128
PD = 4096
TRAJ = 256
CAND = 2048


def _dot(a, b):
    return jax.lax.dot_general(a.astype(BF16), b, (((1,), (0,)), ((), ())),
                               preferred_element_type=F32)



def _prologue_krn(s_t, strat0, Wm, Ws, Wph_t, Wph_b, Wpa_b, We_h, wh_row,
                  strat_o, bias_h_o, bias_a_o, logits0_o, base0_o, hs_o):
    strat_o[...] = jnp.tanh(_dot(strat0[...], Wm[...]) + _dot(s_t[...], Ws[...]))
    strat = strat_o[...]
    bias_h_o[...] = _dot(strat, Wph_b[...])
    bias_a_o[...] = _dot(strat, Wpa_b[...])
    logits0_o[...] = _dot(s_t[...], Wph_t[...]) + bias_h_o[...]
    base0_o[...] = _dot(s_t[...], We_h[...])
    hs_o[...] = jnp.sum(s_t[...] * wh_row[...]).reshape(1, 1)


def _prologue(s_t, strat0, Wm, Ws, Wph_t, Wph_b, Wpa_b, We_h, wh_row):
    return pl.pallas_call(
        _prologue_krn,
        out_shape=[
            jax.ShapeDtypeStruct((1, GD), F32),
            jax.ShapeDtypeStruct((1, PD), F32),
            jax.ShapeDtypeStruct((1, PD), F32),
            jax.ShapeDtypeStruct((1, PD), F32),
            jax.ShapeDtypeStruct((1, SD), F32),
            jax.ShapeDtypeStruct((1, 1), F32),
        ],
    )(s_t, strat0, Wm, Ws, Wph_t, Wph_b, Wpa_b, We_h, wh_row)



def _a0_krn(lrow, lcol, A_h, acts_o, r0_o):
    v = lrow[...]
    ii = jax.lax.broadcasted_iota(jnp.int32, (1, PD), 1)
    rank = jnp.zeros((1, PD), jnp.int32)
    for t in range(PD // 256):
        vj = lcol[pl.ds(t * 256, 256), :]
        ji = jax.lax.broadcasted_iota(jnp.int32, (256, 1), 0) + t * 256
        hit = (vj > v) | ((vj == v) & (ji < ii))
        rank = rank + jnp.sum(hit.astype(jnp.int32), axis=0, keepdims=True)
    iif = ii.astype(F32)
    for t in range(CAND // 256):
        p = jax.lax.broadcasted_iota(jnp.int32, (256, 1), 0) + (t * 256)
        oh = (rank == p).astype(F32)
        acts_o[pl.ds(t * 256, 256), :] = _dot(oh, A_h[...]).astype(BF16)
        r0_o[pl.ds(t * 256, 256), :] = jnp.sum(oh * iif, axis=1, keepdims=True)


def _a0(lrow, lcol, A_h):
    return pl.pallas_call(
        _a0_krn,
        out_shape=[
            jax.ShapeDtypeStruct((CAND, AD), BF16),
            jax.ShapeDtypeStruct((CAND, 1), F32),
        ],
    )(lrow, lcol, A_h)



_EBLK = 256


def _expand_krn(rem, acts, base, Wa_h, Wpa_t, bias_a, A_a, We_a, Wa_a,
                strat, wh_col, Wv, hs, nxt_o, vals_o):
    partial = jnp.tanh(base[...] + _dot(acts[...], Wa_h[...]))
    logits = _dot(partial, Wpa_t[...]) + bias_a[...]
    m = jnp.max(logits, axis=1, keepdims=True)
    ii = jax.lax.broadcasted_iota(jnp.int32, (_EBLK, PD), 1)
    idx = jnp.min(jnp.where(logits == m, ii, PD), axis=1, keepdims=True)
    oh = (ii == idx).astype(F32)
    adv = _dot(oh, A_a[...])
    nxt_o[...] = jnp.tanh(_dot(partial, We_a[...]) + _dot(adv, Wa_a[...]))
    nxt = nxt_o[...]
    va = _dot(nxt, wh_col[...])
    hcat = jnp.concatenate(
        [nxt, jnp.broadcast_to(strat[...], (nxt.shape[0], GD))], axis=1)
    vp = _dot(hcat, Wv[...])
    vals_o[...] = (va - hs[...]) + vp * rem


def _expand(rem, acts, base, Wa_h, Wpa_t, bias_a, A_a, We_a, Wa_a,
            strat, wh_col, Wv, hs):
    blk = _EBLK
    nblk = CAND // blk
    const = lambda shape: pl.BlockSpec(shape, lambda i: (0, 0))
    return pl.pallas_call(
        functools.partial(_expand_krn, float(rem)),
        grid=(nblk,),
        in_specs=[
            pl.BlockSpec((blk, AD), lambda i: (i, 0)),
            const((TRAJ, SD)),
            const((AD, SD)),
            const((SD, PD)),
            const((1, PD)),
            const((PD, AD)),
            const((SD, SD)),
            const((AD, SD)),
            const((1, GD)),
            const((SD, 1)),
            const((SD + GD, 1)),
            const((1, 1)),
        ],
        out_specs=[
            pl.BlockSpec((blk, SD), lambda i: (i, 0)),
            pl.BlockSpec((blk, 1), lambda i: (i, 0)),
        ],
        out_shape=[
            jax.ShapeDtypeStruct((CAND, SD), F32),
            jax.ShapeDtypeStruct((CAND, 1), F32),
        ],
    )(acts, base, Wa_h, Wpa_t, bias_a, A_a, We_a, Wa_a, strat, wh_col, Wv, hs)



def _select_krn(vrow, vcol, sel_o):
    v = vrow[...]
    ii = jax.lax.broadcasted_iota(jnp.int32, (1, CAND), 1)
    rank = jnp.zeros((1, CAND), jnp.int32)
    for t in range(CAND // 256):
        vj = vcol[pl.ds(t * 256, 256), :]
        ji = jax.lax.broadcasted_iota(jnp.int32, (256, 1), 0) + t * 256
        hit = (vj > v) | ((vj == v) & (ji < ii))
        rank = rank + jnp.sum(hit.astype(jnp.int32), axis=0, keepdims=True)
    p = jax.lax.broadcasted_iota(jnp.int32, (TRAJ, 1), 0)
    oh = (rank == p).astype(F32)
    sel_o[...] = jnp.sum(oh * ii.astype(F32), axis=1, keepdims=True)


def _select(vrow, vcol):
    return pl.pallas_call(
        _select_krn,
        out_shape=jax.ShapeDtypeStruct((TRAJ, 1), F32),
    )(vrow, vcol)



def _sc_gather(table, idx):
    info = plsc.get_sparse_core_info()
    nw = info.num_cores * info.num_subcores
    b = idx.shape[0]
    bpw = b // nw
    mesh = plsc.VectorSubcoreMesh(core_axis_name="c", subcore_axis_name="s")

    @functools.partial(
        pl.kernel, mesh=mesh,
        out_type=jax.ShapeDtypeStruct((b,) + table.shape[1:], table.dtype),
        scratch_types=[
            pltpu.VMEM((bpw,), jnp.int32),
            pltpu.VMEM((bpw,) + table.shape[1:], table.dtype),
            pltpu.SemaphoreType.DMA,
        ],
    )
    def k(table_hbm, idx_hbm, out_hbm, idx_v, rows_v, sem):
        wid = jax.lax.axis_index("s") * info.num_cores + jax.lax.axis_index("c")
        base = wid * bpw
        pltpu.sync_copy(idx_hbm.at[pl.ds(base, bpw)], idx_v)
        pltpu.async_copy(table_hbm.at[idx_v], rows_v, sem).wait()
        pltpu.sync_copy(rows_v, out_hbm.at[pl.ds(base, bpw)])

    return k(table, idx)



def _head_krn(cand, Wph_t, bias_h, A_h, We_h, acts_o, base_o):
    logits = _dot(cand[...], Wph_t[...]) + bias_h[...]
    base_o[...] = _dot(cand[...], We_h[...])
    ii = jax.lax.broadcasted_iota(jnp.int32, (TRAJ, PD), 1)
    neg = jnp.float32(-jnp.inf)
    for j in range(8):
        m = jnp.max(logits, axis=1, keepdims=True)
        idx = jnp.min(jnp.where(logits == m, ii, PD), axis=1, keepdims=True)
        sel = ii == idx
        oh = sel.astype(F32)
        acts_o[pl.ds(j * TRAJ, TRAJ), :] = _dot(oh, A_h[...]).astype(BF16)
        logits = jnp.where(sel, neg, logits)


def _head(cand, Wph_t, bias_h, A_h, We_h):
    return pl.pallas_call(
        _head_krn,
        out_shape=[
            jax.ShapeDtypeStruct((CAND, AD), BF16),
            jax.ShapeDtypeStruct((TRAJ, SD), F32),
        ],
    )(cand, Wph_t, bias_h, A_h, We_h)



def _trace_krn(vrow, sel1, sel0, r0, A_h, out_o):
    v = vrow[...]
    ii = jax.lax.broadcasted_iota(jnp.int32, (1, CAND), 1)
    m = jnp.max(v)
    c2 = jnp.min(jnp.where(v == m, ii, CAND))
    q2 = jnp.remainder(c2, TRAJ)
    i256 = jax.lax.broadcasted_iota(jnp.int32, (1, TRAJ), 1)
    g1 = jnp.sum(jnp.where(i256 == q2, sel1[...], 0.0)).astype(jnp.int32)
    p = jnp.remainder(g1, TRAJ)
    g0 = jnp.sum(jnp.where(i256 == p, sel0[...], 0.0)).astype(jnp.int32)
    ai = jnp.sum(jnp.where(ii == g0, r0[...], 0.0)).astype(jnp.int32)
    ipd = jax.lax.broadcasted_iota(jnp.int32, (1, PD), 1)
    oh = (ipd == ai).astype(F32)
    out_o[...] = jax.lax.dot_general(
        oh, A_h[...], (((1,), (0,)), ((), ())), preferred_element_type=F32,
        precision=jax.lax.Precision.HIGHEST)


def _trace(vrow, sel1, sel0, r0, A_h):
    return pl.pallas_call(
        _trace_krn,
        out_shape=jax.ShapeDtypeStruct((1, AD), F32),
    )(vrow, sel1, sel0, r0, A_h)



def kernel(s_t, strategy0, Wm, Ws, Wp_h, Wp_a, A_h, A_a, We_h, Wa_h, We_a,
           Wa_a, Wv, w_h):
    s_t = s_t.reshape(1, SD)
    bf = lambda x: x.astype(BF16)
    Wph_t, Wph_b = bf(Wp_h[:SD]), bf(Wp_h[SD:])
    Wpa_t, Wpa_b = bf(Wp_a[:SD]), bf(Wp_a[SD:])
    A_h_b, A_a_b = bf(A_h), bf(A_a)
    We_h_b, We_a_b, Wa_h_b, Wa_a_b = bf(We_h), bf(We_a), bf(Wa_h), bf(Wa_a)
    wh_row = w_h.reshape(1, SD)
    wh_col = bf(w_h.reshape(SD, 1))
    Wv_b = bf(Wv)

    strat, bias_h, bias_a, logits0, base0, hs = _prologue(
        s_t, strategy0, bf(Wm), bf(Ws), Wph_t, Wph_b, Wpa_b, We_h_b, wh_row)
    strat_b = bf(strat)

    acts0, r0 = _a0(logits0, logits0.reshape(PD, 1), A_h_b)
    base0r = jnp.broadcast_to(base0, (TRAJ, SD))
    nxt0, vals0 = _expand(7, acts0, base0r, Wa_h_b, Wpa_t, bias_a, A_a_b,
                          We_a_b, Wa_a_b, strat_b, wh_col, Wv_b, hs)

    sel0 = _select(vals0.reshape(1, CAND), vals0)
    cand1 = _sc_gather(nxt0.reshape(CAND, SD // 128, 128),
                       sel0.reshape(TRAJ).astype(jnp.int32)).reshape(TRAJ, SD)
    acts1, base1 = _head(cand1, Wph_t, bias_h, A_h_b, We_h_b)
    nxt1, vals1 = _expand(6, acts1, base1, Wa_h_b, Wpa_t, bias_a, A_a_b,
                          We_a_b, Wa_a_b, strat_b, wh_col, Wv_b, hs)

    sel1 = _select(vals1.reshape(1, CAND), vals1)
    cand2 = _sc_gather(nxt1.reshape(CAND, SD // 128, 128),
                       sel1.reshape(TRAJ).astype(jnp.int32)).reshape(TRAJ, SD)
    acts2, base2 = _head(cand2, Wph_t, bias_h, A_h_b, We_h_b)
    _, vals2 = _expand(5, acts2, base2, Wa_h_b, Wpa_t, bias_a, A_a_b,
                       We_a_b, Wa_a_b, strat_b, wh_col, Wv_b, hs)

    out = _trace(vals2.reshape(1, CAND), sel1.reshape(1, TRAJ),
                 sel0.reshape(1, TRAJ), r0.reshape(1, CAND), A_h)
    return out.reshape(AD)

# --- scband reference (transcript-rebuilt; emitter-appended) ---
"""Pipeline reference for scband-adaptive-evolver-66073776882301 (READ-ONLY COPY).

The authoritative reference and input builder live on the scoring server;
editing this copy changes nothing except your own understanding.
"""

import jax, jax.numpy as jnp
import numpy as np

STATE_DIM = 1024
STRATEGY_DIM = 512
ACTION_DIM = 128
POLICY_DIM = 4096
TIME_HORIZON = 8
SEARCH_DEPTH = 3
TRAJ = 256
BRANCH = 8
BLOOM = 8


def setup_inputs(seed: int = 0) -> dict:
    key = jax.random.key(seed)
    ks = jax.random.split(key, 16)
    def g(k, shape, scale=0.02):
        return jax.random.normal(k, shape, dtype=jnp.float32) * scale
    return {
        "s_t": jax.random.normal(ks[0], (1, STATE_DIM), dtype=jnp.float32),
        "strategy0": jax.random.normal(ks[1], (1, STRATEGY_DIM), dtype=jnp.float32),
        "Wm": g(ks[2], (STRATEGY_DIM, STRATEGY_DIM)),
        "Ws": g(ks[3], (STATE_DIM, STRATEGY_DIM)),
        "Wp_h": g(ks[4], (STATE_DIM + STRATEGY_DIM, POLICY_DIM)),
        "Wp_a": g(ks[5], (STATE_DIM + STRATEGY_DIM, POLICY_DIM)),
        "A_h": g(ks[6], (POLICY_DIM, ACTION_DIM), 1.0),
        "A_a": g(ks[7], (POLICY_DIM, ACTION_DIM), 1.0),
        "We_h": g(ks[8], (STATE_DIM, STATE_DIM)),
        "Wa_h": g(ks[9], (ACTION_DIM, STATE_DIM)),
        "We_a": g(ks[10], (STATE_DIM, STATE_DIM)),
        "Wa_a": g(ks[11], (ACTION_DIM, STATE_DIM)),
        "Wv": g(ks[12], (STATE_DIM + STRATEGY_DIM, 1)),
        "w_h": g(ks[13], (STATE_DIM,), 1.0),
    }


def _forward(s_t, strategy0, Wm, Ws, Wp_h, Wp_a, A_h, A_a, We_h, Wa_h, We_a, Wa_a, Wv, w_h):
    s_t = s_t.reshape(1, STATE_DIM)
    # memory update of adversary strategy
    strat = jnp.tanh(strategy0 @ Wm + s_t @ Ws)

    def policy(states, Wp):
        h = jnp.concatenate([states, jnp.broadcast_to(strat, (states.shape[0], STRATEGY_DIM))], axis=1)
        return jnp.tanh(h @ Wp)

    def sample_actions(pi, n, A):
        # deterministic sampling: take the n highest-probability discrete actions
        _, idx = jax.lax.top_k(pi, n)
        return jnp.take(A, idx.reshape(-1), axis=0)

    def evolve(states, actions, misaligned, We, Wa):
        if misaligned:
            b = actions.shape[0] // states.shape[0]
            states = jnp.repeat(states, b, axis=0)
        return jnp.tanh(states @ We + actions @ Wa)

    def health(s):
        return s @ w_h

    def expand(states, depth):
        pi_h = policy(states, Wp_h)
        b = BLOOM * TRAJ if depth == 0 else BRANCH
        acts = sample_actions(pi_h, b, A_h)
        partial = evolve(states, acts, True, We_h, Wa_h)
        pi_a = policy(partial, Wp_a)
        adv_acts = sample_actions(pi_a, 1, A_a)
        nxt = evolve(partial, adv_acts, False, We_a, Wa_a)
        v_acc = health(nxt) - health(s_t)[0]
        rem = TIME_HORIZON - depth - 1
        hcat = jnp.concatenate([nxt, jnp.broadcast_to(strat, (nxt.shape[0], STRATEGY_DIM))], axis=1)
        v_proj = (hcat @ Wv).reshape(-1) * rem
        return nxt, acts, (v_acc + v_proj).reshape(-1)

    ns, acts, vals = expand(s_t, 0)
    idx = jnp.argsort(-vals)[:TRAJ]
    cand_init_actions = acts[idx]
    cand_final = ns[idx]
    init_idx = jnp.arange(TRAJ)
    best = jnp.array(0)
    for i in range(1, SEARCH_DEPTH):
        ns, _, vals = expand(cand_final, i)
        idx = jnp.argsort(-vals)[:TRAJ]
        cand_final = ns[idx]
        init_idx = jnp.repeat(init_idx, BRANCH)[idx]
        if i == SEARCH_DEPTH - 1:
            best = jnp.argmax(vals[idx])
    return cand_init_actions[init_idx[best]]


def reference(s_t, strategy0, Wm, Ws, Wp_h, Wp_a, A_h, A_a, We_h, Wa_h, We_a, Wa_a, Wv, w_h):
    return _forward(s_t, strategy0, Wm, Ws, Wp_h, Wp_a, A_h, A_a, We_h, Wa_h, We_a, Wa_a, Wv, w_h)

if __name__ == "__main__":
    import jax
    _d = setup_inputs()
    print(jax.jit(kernel)(*tuple(_d.values())))

</pallas_src>

<mosaic_0001>
#map = affine_map<(d0, d1) -> (0, 0, 0)>
#map1 = affine_map<(d0, d1) -> (0)>
module attributes {stable_mosaic.version = 14 : i64} {
  func.func @k(%arg0: i32, %arg1: i32, %arg2: memref<2048x8x128xf32, #tpu.memory_space<hbm>>, %arg3: memref<256xi32, #tpu.memory_space<hbm>>, %arg4: memref<256x8x128xf32, #tpu.memory_space<hbm>>, %arg5: memref<8xi32, #tpu.memory_space<vmem>>, %arg6: memref<8x8x128xf32, #tpu.memory_space<vmem>>, %arg7: memref<!tpu.dma_semaphore, #tpu.memory_space<semaphore_mem>>) attributes {dimension_semantics = [#tpu.dimension_semantics<core_parallel>, #tpu.dimension_semantics<subcore_parallel>], iteration_bounds = array<i64: 2, 16>, scalar_prefetch = 0 : i64, scratch_operands = 3 : i64, tpu.core_type = #tpu.core_type<sc_vector_subcore>, window_params = [{transform_indices = #map}, {transform_indices = #map1}, {transform_indices = #map}]} {
    %mul3A = arith.constant 2 : i32
    %mul3A_0 = arith.muli %arg1, %mul3A : i32
    %add3A = arith.addi %mul3A_0, %arg0 : i32
    %mul3A_1 = arith.constant 8 : i32
    %mul3A_2 = arith.muli %add3A, %mul3A_1 : i32
    "tpu.region"() ({
      %run_scoped3A = tpu.sem_alloc : memref<!tpu.dma_semaphore, #tpu.memory_space<semaphore_mem>>
      %dma_start3A_9 = tpu.memref_slice %arg3[%mul3A_2] : memref<256xi32, #tpu.memory_space<hbm>> -> memref<8xi32, #tpu.memory_space<hbm>>
      %dma_start3A_10 = tpu.memref_slice %arg3[%mul3A_2] : memref<256xi32, #tpu.memory_space<hbm>> -> memref<8xi32, #tpu.memory_space<hbm>>
      tpu.enqueue_dma source(%dma_start3A_10 : memref<8xi32, #tpu.memory_space<hbm>>) target(%arg5 : memref<8xi32, #tpu.memory_space<vmem>>) target_semaphore(%run_scoped3A : memref<!tpu.dma_semaphore, #tpu.memory_space<semaphore_mem>>)
      %dma_wait3A_11 = tpu.memref_slice %arg3[%mul3A_2] : memref<256xi32, #tpu.memory_space<hbm>> -> memref<8xi32, #tpu.memory_space<hbm>>
      %dma_wait3A_12 = tpu.memref_slice %arg3[%mul3A_2] : memref<256xi32, #tpu.memory_space<hbm>> -> memref<8xi32, #tpu.memory_space<hbm>>
      tpu.wait_dma2 semaphore(%run_scoped3A : memref<!tpu.dma_semaphore, #tpu.memory_space<semaphore_mem>>) src(%dma_wait3A_12 : memref<8xi32, #tpu.memory_space<hbm>>) dst(%arg5 : memref<8xi32, #tpu.memory_space<vmem>>)
      tpu.yield
    }) : () -> ()
    %dma_start3A = arith.constant 0 : i32
    %dma_start3A_3 = arith.constant 0 : i32
    %dma_start3A_4 = arith.constant 0 : i32
    %dma_start3A_5 = tpu.memref_slice %arg2[%dma_start3A, %dma_start3A_3, %dma_start3A_4] : memref<2048x8x128xf32, #tpu.memory_space<hbm>> -> memref<2048x8x128xf32, #tpu.memory_space<hbm>>
    tpu.enqueue_indirect_dma source(%dma_start3A_5 : memref<2048x8x128xf32, #tpu.memory_space<hbm>>) target(%arg6 : memref<8x8x128xf32, #tpu.memory_space<vmem>>) offsets(%arg5 : memref<8xi32, #tpu.memory_space<vmem>>) semaphore(%arg7 : memref<!tpu.dma_semaphore, #tpu.memory_space<semaphore_mem>>)
    %dma_wait3A = arith.constant 0 : i32
    %dma_wait3A_6 = arith.constant 0 : i32
    %dma_wait3A_7 = arith.constant 0 : i32
    %dma_wait3A_8 = tpu.memref_slice %arg2[%dma_wait3A, %dma_wait3A_6, %dma_wait3A_7] : memref<2048x8x128xf32, #tpu.memory_space<hbm>> -> memref<2048x8x128xf32, #tpu.memory_space<hbm>>
    tpu.wait_indirect_dma semaphore(%arg7 : memref<!tpu.dma_semaphore, #tpu.memory_space<semaphore_mem>>) src(%dma_wait3A_8 : memref<2048x8x128xf32, #tpu.memory_space<hbm>>) dst(%arg6 : memref<8x8x128xf32, #tpu.memory_space<vmem>>)
    "tpu.region"() ({
      %run_scoped3A = tpu.sem_alloc : memref<!tpu.dma_semaphore, #tpu.memory_space<semaphore_mem>>
      %dma_start3A_9 = arith.constant 0 : i32
      %dma_start3A_10 = arith.constant 0 : i32
      %dma_start3A_11 = tpu.memref_slice %arg4[%mul3A_2, %dma_start3A_9, %dma_start3A_10] : memref<256x8x128xf32, #tpu.memory_space<hbm>> -> memref<8x8x128xf32, #tpu.memory_space<hbm>>
      %dma_start3A_12 = arith.constant 0 : i32
      %dma_start3A_13 = arith.constant 0 : i32
      %dma_start3A_14 = tpu.memref_slice %arg4[%mul3A_2, %dma_start3A_12, %dma_start3A_13] : memref<256x8x128xf32, #tpu.memory_space<hbm>> -> memref<8x8x128xf32, #tpu.memory_space<hbm>>
      tpu.enqueue_dma source(%arg6 : memref<8x8x128xf32, #tpu.memory_space<vmem>>) target(%dma_start3A_14 : memref<8x8x128xf32, #tpu.memory_space<hbm>>) target_semaphore(%run_scoped3A : memref<!tpu.dma_semaphore, #tpu.memory_space<semaphore_mem>>)
      %dma_wait3A_15 = arith.constant 0 : i32
      %dma_wait3A_16 = arith.constant 0 : i32
      %dma_wait3A_17 = tpu.memref_slice %arg4[%mul3A_2, %dma_wait3A_15, %dma_wait3A_16] : memref<256x8x128xf32, #tpu.memory_space<hbm>> -> memref<8x8x128xf32, #tpu.memory_space<hbm>>
      %dma_wait3A_18 = arith.constant 0 : i32
      %dma_wait3A_19 = arith.constant 0 : i32
      %dma_wait3A_20 = tpu.memref_slice %arg4[%mul3A_2, %dma_wait3A_18, %dma_wait3A_19] : memref<256x8x128xf32, #tpu.memory_space<hbm>> -> memref<8x8x128xf32, #tpu.memory_space<hbm>>
      tpu.wait_dma2 semaphore(%run_scoped3A : memref<!tpu.dma_semaphore, #tpu.memory_space<semaphore_mem>>) src(%arg6 : memref<8x8x128xf32, #tpu.memory_space<vmem>>) dst(%dma_wait3A_20 : memref<8x8x128xf32, #tpu.memory_space<hbm>>)
      tpu.yield
    }) : () -> ()
    return
  }
}

#map = affine_map<(d0, d1) -> (0, 0, 0)>
#map1 = affine_map<(d0, d1) -> (0)>
module attributes {stable_mosaic.version = 14 : i64} {
  func.func @k(%arg0: i32, %arg1: i32, %arg2: memref<2048x8x128xf32, #tpu.memory_space<hbm>>, %arg3: memref<256xi32, #tpu.memory_space<hbm>>, %arg4: memref<256x8x128xf32, #tpu.memory_space<hbm>>, %arg5: memref<8xi32, #tpu.memory_space<vmem>>, %arg6: memref<8x8x128xf32, #tpu.memory_space<vmem>>, %arg7: memref<!tpu.dma_semaphore, #tpu.memory_space<semaphore_mem>>) attributes {dimension_semantics = [#tpu.dimension_semantics<core_parallel>, #tpu.dimension_semantics<subcore_parallel>], iteration_bounds = array<i64: 2, 16>, scalar_prefetch = 0 : i64, scratch_operands = 3 : i64, tpu.core_type = #tpu.core_type<sc_vector_subcore>, window_params = [{transform_indices = #map}, {transform_indices = #map1}, {transform_indices = #map}]} {
    %mul3A = arith.constant 2 : i32
    %mul3A_0 = arith.muli %arg1, %mul3A : i32
    %add3A = arith.addi %mul3A_0, %arg0 : i32
    %mul3A_1 = arith.constant 8 : i32
    %mul3A_2 = arith.muli %add3A, %mul3A_1 : i32
    "tpu.region"() ({
      %run_scoped3A = tpu.sem_alloc : memref<!tpu.dma_semaphore, #tpu.memory_space<semaphore_mem>>
      %dma_start3A_9 = tpu.memref_slice %arg3[%mul3A_2] : memref<256xi32, #tpu.memory_space<hbm>> -> memref<8xi32, #tpu.memory_space<hbm>>
      %dma_start3A_10 = tpu.memref_slice %arg3[%mul3A_2] : memref<256xi32, #tpu.memory_space<hbm>> -> memref<8xi32, #tpu.memory_space<hbm>>
      tpu.enqueue_dma source(%dma_start3A_10 : memref<8xi32, #tpu.memory_space<hbm>>) target(%arg5 : memref<8xi32, #tpu.memory_space<vmem>>) target_semaphore(%run_scoped3A : memref<!tpu.dma_semaphore, #tpu.memory_space<semaphore_mem>>)
      %dma_wait3A_11 = tpu.memref_slice %arg3[%mul3A_2] : memref<256xi32, #tpu.memory_space<hbm>> -> memref<8xi32, #tpu.memory_space<hbm>>
      %dma_wait3A_12 = tpu.memref_slice %arg3[%mul3A_2] : memref<256xi32, #tpu.memory_space<hbm>> -> memref<8xi32, #tpu.memory_space<hbm>>
      tpu.wait_dma2 semaphore(%run_scoped3A : memref<!tpu.dma_semaphore, #tpu.memory_space<semaphore_mem>>) src(%dma_wait3A_12 : memref<8xi32, #tpu.memory_space<hbm>>) dst(%arg5 : memref<8xi32, #tpu.memory_space<vmem>>)
      tpu.yield
    }) : () -> ()
    %dma_start3A = arith.constant 0 : i32
    %dma_start3A_3 = arith.constant 0 : i32
    %dma_start3A_4 = arith.constant 0 : i32
    %dma_start3A_5 = tpu.memref_slice %arg2[%dma_start3A, %dma_start3A_3, %dma_start3A_4] : memref<2048x8x128xf32, #tpu.memory_space<hbm>> -> memref<2048x8x128xf32, #tpu.memory_space<hbm>>
    tpu.enqueue_indirect_dma source(%dma_start3A_5 : memref<2048x8x128xf32, #tpu.memory_space<hbm>>) target(%arg6 : memref<8x8x128xf32, #tpu.memory_space<vmem>>) offsets(%arg5 : memref<8xi32, #tpu.memory_space<vmem>>) semaphore(%arg7 : memref<!tpu.dma_semaphore, #tpu.memory_space<semaphore_mem>>)
    %dma_wait3A = arith.constant 0 : i32
    %dma_wait3A_6 = arith.constant 0 : i32
    %dma_wait3A_7 = arith.constant 0 : i32
    %dma_wait3A_8 = tpu.memref_slice %arg2[%dma_wait3A, %dma_wait3A_6, %dma_wait3A_7] : memref<2048x8x128xf32, #tpu.memory_space<hbm>> -> memref<2048x8x128xf32, #tpu.memory_space<hbm>>
    tpu.wait_indirect_dma semaphore(%arg7 : memref<!tpu.dma_semaphore, #tpu.memory_space<semaphore_mem>>) src(%dma_wait3A_8 : memref<2048x8x128xf32, #tpu.memory_space<hbm>>) dst(%arg6 : memref<8x8x128xf32, #tpu.memory_space<vmem>>)
    "tpu.region"() ({
      %run_scoped3A = tpu.sem_alloc : memref<!tpu.dma_semaphore, #tpu.memory_space<semaphore_mem>>
      %dma_start3A_9 = arith.constant 0 : i32
      %dma_start3A_10 = arith.constant 0 : i32
      %dma_start3A_11 = tpu.memref_slice %arg4[%mul3A_2, %dma_start3A_9, %dma_start3A_10] : memref<256x8x128xf32, #tpu.memory_space<hbm>> -> memref<8x8x128xf32, #tpu.memory_space<hbm>>
      %dma_start3A_12 = arith.constant 0 : i32
      %dma_start3A_13 = arith.constant 0 : i32
      %dma_start3A_14 = tpu.memref_slice %arg4[%mul3A_2, %dma_start3A_12, %dma_start3A_13] : memref<256x8x128xf32, #tpu.memory_space<hbm>> -> memref<8x8x128xf32, #tpu.memory_space<hbm>>
      tpu.enqueue_dma source(%arg6 : memref<8x8x128xf32, #tpu.memory_space<vmem>>) target(%dma_start3A_14 : memref<8x8x128xf32, #tpu.memory_space<hbm>>) target_semaphore(%run_scoped3A : memref<!tpu.dma_semaphore, #tpu.memory_space<semaphore_mem>>)
      %dma_wait3A_15 = arith.constant 0 : i32
      %dma_wait3A_16 = arith.constant 0 : i32
      %dma_wait3A_17 = tpu.memref_slice %arg4[%mul3A_2, %dma_wait3A_15, %dma_wait3A_16] : memref<256x8x128xf32, #tpu.memory_space<hbm>> -> memref<8x8x128xf32, #tpu.memory_space<hbm>>
      %dma_wait3A_18 = arith.constant 0 : i32
      %dma_wait3A_19 = arith.constant 0 : i32
      %dma_wait3A_20 = tpu.memref_slice %arg4[%mul3A_2, %dma_wait3A_18, %dma_wait3A_19] : memref<256x8x128xf32, #tpu.memory_space<hbm>> -> memref<8x8x128xf32, #tpu.memory_space<hbm>>
      tpu.wait_dma2 semaphore(%run_scoped3A : memref<!tpu.dma_semaphore, #tpu.memory_space<semaphore_mem>>) src(%arg6 : memref<8x8x128xf32, #tpu.memory_space<vmem>>) dst(%dma_wait3A_20 : memref<8x8x128xf32, #tpu.memory_space<hbm>>)
      tpu.yield
    }) : () -> ()
    return
  }
}

module attributes {stable_mosaic.version = 14 : i64} {
  func.func @_prologue_krn(%arg0: memref<1x1024xf32, #tpu.memory_space<vmem>>, %arg1: memref<1x512xf32, #tpu.memory_space<vmem>>, %arg2: memref<512x512xbf16, #tpu.memory_space<vmem>>, %arg3: memref<1024x512xbf16, #tpu.memory_space<vmem>>, %arg4: memref<1024x4096xbf16, #tpu.memory_space<vmem>>, %arg5: memref<512x4096xbf16, #tpu.memory_space<vmem>>, %arg6: memref<512x4096xbf16, #tpu.memory_space<vmem>>, %arg7: memref<1024x1024xbf16, #tpu.memory_space<vmem>>, %arg8: memref<1x1024xf32, #tpu.memory_space<vmem>>, %arg9: memref<1x512xf32, #tpu.memory_space<vmem>>, %arg10: memref<1x4096xf32, #tpu.memory_space<vmem>>, %arg11: memref<1x4096xf32, #tpu.memory_space<vmem>>, %arg12: memref<1x4096xf32, #tpu.memory_space<vmem>>, %arg13: memref<1x1024xf32, #tpu.memory_space<vmem>>, %arg14: memref<1x1xf32, #tpu.memory_space<vmem>>) attributes {dimension_semantics = [], scalar_prefetch = 0 : i64, scratch_operands = 0 : i64, tpu.core_type = #tpu.core_type<tc>} {
    %get3A = arith.constant 0 : index
    %get3A_0 = arith.constant 0 : index
    %get3A_1 = vector.load %arg1[%get3A, %get3A_0] : memref<1x512xf32, #tpu.memory_space<vmem>>, vector<1x512xf32>
    %get3A_2 = arith.constant 0 : index
    %get3A_3 = arith.constant 0 : index
    %get3A_4 = vector.load %arg2[%get3A_2, %get3A_3] : memref<512x512xbf16, #tpu.memory_space<vmem>>, vector<512x512xbf16>
    %convert_element_type3A = arith.truncf %get3A_1 : vector<1x512xf32> to vector<1x512xbf16>
    %dot_general3A = arith.constant dense<0.000000e+00> : vector<1x512xf32>
    %dot_general3A_5 = tpu.matmul %convert_element_type3A, %get3A_4, %dot_general3A {dimension_numbers = #tpu.dot_dimension_numbers<[1], [0], [0], [1], [0, 0, 1, 1], [], []>, transpose_lhs_hint = false} : vector<1x512xbf16>, vector<512x512xbf16>, vector<1x512xf32> -> vector<1x512xf32>
    %get3A_6 = arith.constant 0 : index
    %get3A_7 = arith.constant 0 : index
    %get3A_8 = vector.load %arg0[%get3A_6, %get3A_7] : memref<1x1024xf32, #tpu.memory_space<vmem>>, vector<1x1024xf32>
    %get3A_9 = arith.constant 0 : index
    %get3A_10 = arith.constant 0 : index
    %get3A_11 = vector.load %arg3[%get3A_9, %get3A_10] : memref<1024x512xbf16, #tpu.memory_space<vmem>>, vector<1024x512xbf16>
    %convert_element_type3A_12 = arith.truncf %get3A_8 : vector<1x1024xf32> to vector<1x1024xbf16>
    %dot_general3A_13 = arith.constant dense<0.000000e+00> : vector<1x512xf32>
    %dot_general3A_14 = tpu.matmul %convert_element_type3A_12, %get3A_11, %dot_general3A_13 {dimension_numbers = #tpu.dot_dimension_numbers<[1], [0], [0], [1], [0, 0, 1, 1], [], []>, transpose_lhs_hint = false} : vector<1x1024xbf16>, vector<1024x512xbf16>, vector<1x512xf32> -> vector<1x512xf32>
    %add3A = arith.addf %dot_general3A_5, %dot_general3A_14 : vector<1x512xf32>
    %tanh3A = math.tanh %add3A : vector<1x512xf32>
    %swap3A = arith.constant 0 : index
    %swap3A_15 = arith.constant 0 : index
    %swap3A_16 = vector.load %arg9[%swap3A, %swap3A_15] : memref<1x512xf32, #tpu.memory_space<vmem>>, vector<1x512xf32>
    tpu.vector_store %arg9[%swap3A, %swap3A_15], %tanh3A {strides = array<i32>} : memref<1x512xf32, #tpu.memory_space<vmem>>, vector<1x512xf32>,
    %get3A_17 = arith.constant 0 : index
    %get3A_18 = arith.constant 0 : index
    %get3A_19 = vector.load %arg9[%get3A_17, %get3A_18] : memref<1x512xf32, #tpu.memory_space<vmem>>, vector<1x512xf32>
    %get3A_20 = arith.constant 0 : index
    %get3A_21 = arith.constant 0 : index
    %get3A_22 = vector.load %arg5[%get3A_20, %get3A_21] : memref<512x4096xbf16, #tpu.memory_space<vmem>>, vector<512x4096xbf16>
    %convert_element_type3A_23 = arith.truncf %get3A_19 : vector<1x512xf32> to vector<1x512xbf16>
    %dot_general3A_24 = arith.constant dense<0.000000e+00> : vector<1x4096xf32>
    %dot_general3A_25 = tpu.matmul %convert_element_type3A_23, %get3A_22, %dot_general3A_24 {dimension_numbers = #tpu.dot_dimension_numbers<[1], [0], [0], [1], [0, 0, 1, 1], [], []>, transpose_lhs_hint = false} : vector<1x512xbf16>, vector<512x4096xbf16>, vector<1x4096xf32> -> vector<1x4096xf32>
    %swap3A_26 = arith.constant 0 : index
    %swap3A_27 = arith.constant 0 : index
    %swap3A_28 = vector.load %arg10[%swap3A_26, %swap3A_27] : memref<1x4096xf32, #tpu.memory_space<vmem>>, vector<1x4096xf32>
    tpu.vector_store %arg10[%swap3A_26, %swap3A_27], %dot_general3A_25 {strides = array<i32>} : memref<1x4096xf32, #tpu.memory_space<vmem>>, vector<1x4096xf32>,
    %get3A_29 = arith.constant 0 : index
    %get3A_30 = arith.constant 0 : index
    %get3A_31 = vector.load %arg6[%get3A_29, %get3A_30] : memref<512x4096xbf16, #tpu.memory_space<vmem>>, vector<512x4096xbf16>
    %convert_element_type3A_32 = arith.truncf %get3A_19 : vector<1x512xf32> to vector<1x512xbf16>
    %dot_general3A_33 = arith.constant dense<0.000000e+00> : vector<1x4096xf32>
    %dot_general3A_34 = tpu.matmul %convert_element_type3A_32, %get3A_31, %dot_general3A_33 {dimension_numbers = #tpu.dot_dimension_numbers<[1], [0], [0], [1], [0, 0, 1, 1], [], []>, transpose_lhs_hint = false} : vector<1x512xbf16>, vector<512x4096xbf16>, vector<1x4096xf32> -> vector<1x4096xf32>
    %swap3A_35 = arith.constant 0 : index
    %swap3A_36 = arith.constant 0 : index
    %swap3A_37 = vector.load %arg11[%swap3A_35, %swap3A_36] : memref<1x4096xf32, #tpu.memory_space<vmem>>, vector<1x4096xf32>
    tpu.vector_store %arg11[%swap3A_35, %swap3A_36], %dot_general3A_34 {strides = array<i32>} : memref<1x4096xf32, #tpu.memory_space<vmem>>, vector<1x4096xf32>,
    %get3A_38 = arith.constant 0 : index
    %get3A_39 = arith.constant 0 : index
    %get3A_40 = vector.load %arg0[%get3A_38, %get3A_39] : memref<1x1024xf32, #tpu.memory_space<vmem>>, vector<1x1024xf32>
    %get3A_41 = arith.constant 0 : index
    %get3A_42 = arith.constant 0 : index
    %get3A_43 = vector.load %arg4[%get3A_41, %get3A_42] : memref<1024x4096xbf16, #tpu.memory_space<vmem>>, vector<1024x4096xbf16>
    %convert_element_type3A_44 = arith.truncf %get3A_40 : vector<1x1024xf32> to vector<1x1024xbf16>
    %dot_general3A_45 = arith.constant dense<0.000000e+00> : vector<1x4096xf32>
    %dot_general3A_46 = tpu.matmul %convert_element_type3A_44, %get3A_43, %dot_general3A_45 {dimension_numbers = #tpu.dot_dimension_numbers<[1], [0], [0], [1], [0, 0, 1, 1], [], []>, transpose_lhs_hint = false} : vector<1x1024xbf16>, vector<1024x4096xbf16>, vector<1x4096xf32> -> vector<1x4096xf32>
    %get3A_47 = arith.constant 0 : index
    %get3A_48 = arith.constant 0 : index
    %get3A_49 = vector.load %arg10[%get3A_47, %get3A_48] : memref<1x4096xf32, #tpu.memory_space<vmem>>, vector<1x4096xf32>
    %add3A_50 = arith.addf %dot_general3A_46, %get3A_49 : vector<1x4096xf32>
    %swap3A_51 = arith.constant 0 : index
    %swap3A_52 = arith.constant 0 : index
    %swap3A_53 = vector.load %arg12[%swap3A_51, %swap3A_52] : memref<1x4096xf32, #tpu.memory_space<vmem>>, vector<1x4096xf32>
    tpu.vector_store %arg12[%swap3A_51, %swap3A_52], %add3A_50 {strides = array<i32>} : memref<1x4096xf32, #tpu.memory_space<vmem>>, vector<1x4096xf32>,
    %get3A_54 = arith.constant 0 : index
    %get3A_55 = arith.constant 0 : index
    %get3A_56 = vector.load %arg0[%get3A_54, %get3A_55] : memref<1x1024xf32, #tpu.memory_space<vmem>>, vector<1x1024xf32>
    %get3A_57 = arith.constant 0 : index
    %get3A_58 = arith.constant 0 : index
    %get3A_59 = vector.load %arg7[%get3A_57, %get3A_58] : memref<1024x1024xbf16, #tpu.memory_space<vmem>>, vector<1024x1024xbf16>
    %convert_element_type3A_60 = arith.truncf %get3A_56 : vector<1x1024xf32> to vector<1x1024xbf16>
    %dot_general3A_61 = arith.constant dense<0.000000e+00> : vector<1x1024xf32>
    %dot_general3A_62 = tpu.matmul %convert_element_type3A_60, %get3A_59, %dot_general3A_61 {dimension_numbers = #tpu.dot_dimension_numbers<[1], [0], [0], [1], [0, 0, 1, 1], [], []>, transpose_lhs_hint = false} : vector<1x1024xbf16>, vector<1024x1024xbf16>, vector<1x1024xf32> -> vector<1x1024xf32>
    %swap3A_63 = arith.constant 0 : index
    %swap3A_64 = arith.constant 0 : index
    %swap3A_65 = vector.load %arg13[%swap3A_63, %swap3A_64] : memref<1x1024xf32, #tpu.memory_space<vmem>>, vector<1x1024xf32>
    tpu.vector_store %arg13[%swap3A_63, %swap3A_64], %dot_general3A_62 {strides = array<i32>} : memref<1x1024xf32, #tpu.memory_space<vmem>>, vector<1x1024xf32>,
    %get3A_66 = arith.constant 0 : index
    %get3A_67 = arith.constant 0 : index
    %get3A_68 = vector.load %arg0[%get3A_66, %get3A_67] : memref<1x1024xf32, #tpu.memory_space<vmem>>, vector<1x1024xf32>
    %get3A_69 = arith.constant 0 : index
    %get3A_70 = arith.constant 0 : index
    %get3A_71 = vector.load %arg8[%get3A_69, %get3A_70] : memref<1x1024xf32, #tpu.memory_space<vmem>>, vector<1x1024xf32>
    %mul3A = arith.mulf %get3A_68, %get3A_71 : vector<1x1024xf32>
    %reduce_sum3A = vector.shape_cast %mul3A : vector<1x1024xf32> to vector<1x1x1024xf32>
    %reduce_sum3A_72 = arith.constant dense<0.000000e+00> : vector<1xf32>
    %reduce_sum3A_73 = vector.multi_reduction <add>, %reduce_sum3A, %reduce_sum3A_72 [1, 2] : vector<1x1x1024xf32> to vector<1xf32>
    %reduce_sum3A_74 = vector.shape_cast %reduce_sum3A_73 : vector<1xf32> to vector<1x1x1xf32>
    %reduce_sum3A_75 = vector.extract %reduce_sum3A_74[0, 0, 0] : f32 from vector<1x1x1xf32>
    %reshape3A = vector.broadcast %reduce_sum3A_75 : f32 to vector<1x1xf32>
    %swap3A_76 = arith.constant 0 : index
    %swap3A_77 = arith.constant 0 : index
    %swap3A_78 = vector.load %arg14[%swap3A_76, %swap3A_77] : memref<1x1xf32, #tpu.memory_space<vmem>>, vector<1x1xf32>
    tpu.vector_store %arg14[%swap3A_76, %swap3A_77], %reshape3A {strides = array<i32>} : memref<1x1xf32, #tpu.memory_space<vmem>>, vector<1x1xf32>,
    return
  }
}

module attributes {stable_mosaic.version = 14 : i64} {
  func.func @_a0_krn(%arg0: memref<1x4096xf32, #tpu.memory_space<vmem>>, %arg1: memref<4096x1xf32, #tpu.memory_space<vmem>>, %arg2: memref<4096x128xbf16, #tpu.memory_space<vmem>>, %arg3: memref<2048x128xbf16, #tpu.memory_space<vmem>>, %arg4: memref<2048x1xf32, #tpu.memory_space<vmem>>) attributes {dimension_semantics = [], scalar_prefetch = 0 : i64, scratch_operands = 0 : i64, tpu.core_type = #tpu.core_type<tc>} {
    %get3A = arith.constant 0 : index
    %get3A_0 = arith.constant 0 : index
    %get3A_1 = vector.load %arg0[%get3A, %get3A_0] : memref<1x4096xf32, #tpu.memory_space<vmem>>, vector<1x4096xf32>
    %iota3A = tpu.iota {dimensions = array<i32: 1>} : vector<1x4096xi32>
    %broadcast_in_dim3A = arith.constant 0 : i32
    %broadcast_in_dim3A_2 = vector.broadcast %broadcast_in_dim3A : i32 to vector<1x4096xi32>
    %get3A_3 = arith.constant 0 : index
    %get3A_4 = arith.constant 0 : index
    %get3A_5 = vector.load %arg1[%get3A_3, %get3A_4] : memref<4096x1xf32, #tpu.memory_space<vmem>>, vector<256x1xf32>
    %iota3A_6 = tpu.iota {dimensions = array<i32: 0>} : vector<256x1xi32>
    %add3A = arith.constant 0 : i32
    %add3A_7 = vector.broadcast %add3A : i32 to vector<256x1xi32>
    %add3A_8 = arith.addi %iota3A_6, %add3A_7 : vector<256x1xi32>
    %gt3A = vector.broadcast %get3A_5 : vector<256x1xf32> to vector<256x4096xf32>
    %gt3A_9 = vector.broadcast %get3A_1 : vector<1x4096xf32> to vector<256x4096xf32>
    %gt3A_10 = arith.cmpf ogt, %gt3A, %gt3A_9 : vector<256x4096xf32>
    %eq3A = vector.broadcast %get3A_5 : vector<256x1xf32> to vector<256x4096xf32>
    %eq3A_11 = vector.broadcast %get3A_1 : vector<1x4096xf32> to vector<256x4096xf32>
    %eq3A_12 = arith.cmpf oeq, %eq3A, %eq3A_11 : vector<256x4096xf32>
    %lt3A = vector.broadcast %add3A_8 : vector<256x1xi32> to vector<256x4096xi32>
    %lt3A_13 = vector.broadcast %iota3A : vector<1x4096xi32> to vector<256x4096xi32>
    %lt3A_14 = arith.cmpi slt, %lt3A, %lt3A_13 : vector<256x4096xi32>
    %and3A = arith.andi %eq3A_12, %lt3A_14 : vector<256x4096xi1>
    %or3A = arith.ori %gt3A_10, %and3A : vector<256x4096xi1>
    %convert_element_type3A = arith.extui %or3A : vector<256x4096xi1> to vector<256x4096xi32>
    %reduce_sum3A = arith.constant dense<0> : vector<4096xi32>
    %reduce_sum3A_15 = vector.multi_reduction <add>, %convert_element_type3A, %reduce_sum3A [0] : vector<256x4096xi32> to vector<4096xi32>
    %broadcast_in_dim3A_16 = vector.shape_cast %reduce_sum3A_15 : vector<4096xi32> to vector<1x4096xi32>
    %add3A_17 = arith.addi %broadcast_in_dim3A_2, %broadcast_in_dim3A_16 : vector<1x4096xi32>
    %get3A_18 = arith.constant 256 : index
    %get3A_19 = arith.constant 0 : index
    %get3A_20 = vector.load %arg1[%get3A_18, %get3A_19] : memref<4096x1xf32, #tpu.memory_space<vmem>>, vector<256x1xf32>
    %iota3A_21 = tpu.iota {dimensions = array<i32: 0>} : vector<256x1xi32>
    %add3A_22 = arith.constant 256 : i32
    %add3A_23 = vector.broadcast %add3A_22 : i32 to vector<256x1xi32>
    %add3A_24 = arith.addi %iota3A_21, %add3A_23 : vector<256x1xi32>
    %gt3A_25 = vector.broadcast %get3A_20 : vector<256x1xf32> to vector<256x4096xf32>
    %gt3A_26 = vector.broadcast %get3A_1 : vector<1x4096xf32> to vector<256x4096xf32>
    %gt3A_27 = arith.cmpf ogt, %gt3A_25, %gt3A_26 : vector<256x4096xf32>
    %eq3A_28 = vector.broadcast %get3A_20 : vector<256x1xf32> to vector<256x4096xf32>
    %eq3A_29 = vector.broadcast %get3A_1 : vector<1x4096xf32> to vector<256x4096xf32>
    %eq3A_30 = arith.cmpf oeq, %eq3A_28, %eq3A_29 : vector<256x4096xf32>
    %lt3A_31 = vector.broadcast %add3A_24 : vector<256x1xi32> to vector<256x4096xi32>
    %lt3A_32 = vector.broadcast %iota3A : vector<1x4096xi32> to vector<256x4096xi32>
    %lt3A_33 = arith.cmpi slt, %lt3A_31, %lt3A_32 : vector<256x4096xi32>
    %and3A_34 = arith.andi %eq3A_30, %lt3A_33 : vector<256x4096xi1>
    %or3A_35 = arith.ori %gt3A_27, %and3A_34 : vector<256x4096xi1>
    %convert_element_type3A_36 = arith.extui %or3A_35 : vector<256x4096xi1> to vector<256x4096xi32>
    %reduce_sum3A_37 = arith.constant dense<0> : vector<4096xi32>
    %reduce_sum3A_38 = vector.multi_reduction <add>, %convert_element_type3A_36, %reduce_sum3A_37 [0] : vector<256x4096xi32> to vector<4096xi32>
    %broadcast_in_dim3A_39 = vector.shape_cast %reduce_sum3A_38 : vector<4096xi32> to vector<1x4096xi32>
    %add3A_40 = arith.addi %add3A_17, %broadcast_in_dim3A_39 : vector<1x4096xi32>
    %get3A_41 = arith.constant 512 : index
    %get3A_42 = arith.constant 0 : index
    %get3A_43 = vector.load %arg1[%get3A_41, %get3A_42] : memref<4096x1xf32, #tpu.memory_space<vmem>>, vector<256x1xf32>
    %iota3A_44 = tpu.iota {dimensions = array<i32: 0>} : vector<256x1xi32>
    %add3A_45 = arith.constant 512 : i32
    %add3A_46 = vector.broadcast %add3A_45 : i32 to vector<256x1xi32>
    %add3A_47 = arith.addi %iota3A_44, %add3A_46 : vector<256x1xi32>
    %gt3A_48 = vector.broadcast %get3A_43 : vector<256x1xf32> to vector<256x4096xf32>
    %gt3A_49 = vector.broadcast %get3A_1 : vector<1x4096xf32> to vector<256x4096xf32>
    %gt3A_50 = arith.cmpf ogt, %gt3A_48, %gt3A_49 : vector<256x4096xf32>
    %eq3A_51 = vector.broadcast %get3A_43 : vector<256x1xf32> to vector<256x4096xf32>
    %eq3A_52 = vector.broadcast %get3A_1 : vector<1x4096xf32> to vector<256x4096xf32>
    %eq3A_53 = arith.cmpf oeq, %eq3A_51, %eq3A_52 : vector<256x4096xf32>
    %lt3A_54 = vector.broadcast %add3A_47 : vector<256x1xi32> to vector<256x4096xi32>
    %lt3A_55 = vector.broadcast %iota3A : vector<1x4096xi32> to vector<256x4096xi32>
    %lt3A_56 = arith.cmpi slt, %lt3A_54, %lt3A_55 : vector<256x4096xi32>
    %and3A_57 = arith.andi %eq3A_53, %lt3A_56 : vector<256x4096xi1>
    %or3A_58 = arith.ori %gt3A_50, %and3A_57 : vector<256x4096xi1>
    %convert_element_type3A_59 = arith.extui %or3A_58 : vector<256x4096xi1> to vector<256x4096xi32>
    %reduce_sum3A_60 = arith.constant dense<0> : vector<4096xi32>
    %reduce_sum3A_61 = vector.multi_reduction <add>, %convert_element_type3A_59, %reduce_sum3A_60 [0] : vector<256x4096xi32> to vector<4096xi32>
    %broadcast_in_dim3A_62 = vector.shape_cast %reduce_sum3A_61 : vector<4096xi32> to vector<1x4096xi32>
    %add3A_63 = arith.addi %add3A_40, %broadcast_in_dim3A_62 : vector<1x4096xi32>
    %get3A_64 = arith.constant 768 : index
    %get3A_65 = arith.constant 0 : index
    %get3A_66 = vector.load %arg1[%get3A_64, %get3A_65] : memref<4096x1xf32, #tpu.memory_space<vmem>>, vector<256x1xf32>
    %iota3A_67 = tpu.iota {dimensions = array<i32: 0>} : vector<256x1xi32>
    %add3A_68 = arith.constant 768 : i32
    %add3A_69 = vector.broadcast %add3A_68 : i32 to vector<256x1xi32>
    %add3A_70 = arith.addi %iota3A_67, %add3A_69 : vector<256x1xi32>
    %gt3A_71 = vector.broadcast %get3A_66 : vector<256x1xf32> to vector<256x4096xf32>
    %gt3A_72 = vector.broadcast %get3A_1 : vector<1x4096xf32> to vector<256x4096xf32>
    %gt3A_73 = arith.cmpf ogt, %gt3A_71, %gt3A_72 : vector<256x4096xf32>
    %eq3A_74 = vector.broadcast %get3A_66 : vector<256x1xf32> to vector<256x4096xf32>
    %eq3A_75 = vector.broadcast %get3A_1 : vector<1x4096xf32> to vector<256x4096xf32>
    %eq3A_76 = arith.cmpf oeq, %eq3A_74, %eq3A_75 : vector<256x4096xf32>
    %lt3A_77 = vector.broadcast %add3A_70 : vector<256x1xi32> to vector<256x4096xi32>
    %lt3A_78 = vector.broadcast %iota3A : vector<1x4096xi32> to vector<256x4096xi32>
    %lt3A_79 = arith.cmpi slt, %lt3A_77, %lt3A_78 : vector<256x4096xi32>
    %and3A_80 = arith.andi %eq3A_76, %lt3A_79 : vector<256x4096xi1>
    %or3A_81 = arith.ori %gt3A_73, %and3A_80 : vector<256x4096xi1>
    %convert_element_type3A_82 = arith.extui %or3A_81 : vector<256x4096xi1> to vector<256x4096xi32>
    %reduce_sum3A_83 = arith.constant dense<0> : vector<4096xi32>
    %reduce_sum3A_84 = vector.multi_reduction <add>, %convert_element_type3A_82, %reduce_sum3A_83 [0] : vector<256x4096xi32> to vector<4096xi32>
    %broadcast_in_dim3A_85 = vector.shape_cast %reduce_sum3A_84 : vector<4096xi32> to vector<1x4096xi32>
    %add3A_86 = arith.addi %add3A_63, %broadcast_in_dim3A_85 : vector<1x4096xi32>
    %get3A_87 = arith.constant 1024 : index
    %get3A_88 = arith.constant 0 : index
    %get3A_89 = vector.load %arg1[%get3A_87, %get3A_88] : memref<4096x1xf32, #tpu.memory_space<vmem>>, vector<256x1xf32>
    %iota3A_90 = tpu.iota {dimensions = array<i32: 0>} : vector<256x1xi32>
    %add3A_91 = arith.constant 1024 : i32
    %add3A_92 = vector.broadcast %add3A_91 : i32 to vector<256x1xi32>
    %add3A_93 = arith.addi %iota3A_90, %add3A_92 : vector<256x1xi32>
    %gt3A_94 = vector.broadcast %get3A_89 : vector<256x1xf32> to vector<256x4096xf32>
    %gt3A_95 = vector.broadcast %get3A_1 : vector<1x4096xf32> to vector<256x4096xf32>
    %gt3A_96 = arith.cmpf ogt, %gt3A_94, %gt3A_95 : vector<256x4096xf32>
    %eq3A_97 = vector.broadcast %get3A_89 : vector<256x1xf32> to vector<256x4096xf32>
    %eq3A_98 = vector.broadcast %get3A_1 : vector<1x4096xf32> to vector<256x4096xf32>
    %eq3A_99 = arith.cmpf oeq, %eq3A_97, %eq3A_98 : vector<256x4096xf32>
    %lt3A_100 = vector.broadcast %add3A_93 : vector<256x1xi32> to vector<256x4096xi32>
    %lt3A_101 = vector.broadcast %iota3A : vector<1x4096xi32> to vector<256x4096xi32>
    %lt3A_102 = arith.cmpi slt, %lt3A_100, %lt3A_101 : vector<256x4096xi32>
    %and3A_103 = arith.andi %eq3A_99, %lt3A_102 : vector<256x4096xi1>
    %or3A_104 = arith.ori %gt3A_96, %and3A_103 : vector<256x4096xi1>
    %convert_element_type3A_105 = arith.extui %or3A_104 : vector<256x4096xi1> to vector<256x4096xi32>
    %reduce_sum3A_106 = arith.constant dense<0> : vector<4096xi32>
    %reduce_sum3A_107 = vector.multi_reduction <add>, %convert_element_type3A_105, %reduce_sum3A_106 [0] : vector<256x4096xi32> to vector<4096xi32>
    %broadcast_in_dim3A_108 = vector.shape_cast %reduce_sum3A_107 : vector<4096xi32> to vector<1x4096xi32>
    %add3A_109 = arith.addi %add3A_86, %broadcast_in_dim3A_108 : vector<1x4096xi32>
    %get3A_110 = arith.constant 1280 : index
    %get3A_111 = arith.constant 0 : index
    %get3A_112 = vector.load %arg1[%get3A_110, %get3A_111] : memref<4096x1xf32, #tpu.memory_space<vmem>>, vector<256x1xf32>
    %iota3A_113 = tpu.iota {dimensions = array<i32: 0>} : vector<256x1xi32>
    %add3A_114 = arith.constant 1280 : i32
    %add3A_115 = vector.broadcast %add3A_114 : i32 to vector<256x1xi32>
    %add3A_116 = arith.addi %iota3A_113, %add3A_115 : vector<256x1xi32>
    %gt3A_117 = vector.broadcast %get3A_112 : vector<256x1xf32> to vector<256x4096xf32>
    %gt3A_118 = vector.broadcast %get3A_1 : vector<1x4096xf32> to vector<256x4096xf32>
    %gt3A_119 = arith.cmpf ogt, %gt3A_117, %gt3A_118 : vector<256x4096xf32>
    %eq3A_120 = vector.broadcast %get3A_112 : vector<256x1xf32> to vector<256x4096xf32>
    %eq3A_121 = vector.broadcast %get3A_1 : vector<1x4096xf32> to vector<256x4096xf32>
    %eq3A_122 = arith.cmpf oeq, %eq3A_120, %eq3A_121 : vector<256x4096xf32>
    %lt3A_123 = vector.broadcast %add3A_116 : vector<256x1xi32> to vector<256x4096xi32>
    %lt3A_124 = vector.broadcast %iota3A : vector<1x4096xi32> to vector<256x4096xi32>
    %lt3A_125 = arith.cmpi slt, %lt3A_123, %lt3A_124 : vector<256x4096xi32>
    %and3A_126 = arith.andi %eq3A_122, %lt3A_125 : vector<256x4096xi1>
    %or3A_127 = arith.ori %gt3A_119, %and3A_126 : vector<256x4096xi1>
    %convert_element_type3A_128 = arith.extui %or3A_127 : vector<256x4096xi1> to vector<256x4096xi32>
    %reduce_sum3A_129 = arith.constant dense<0> : vector<4096xi32>
    %reduce_sum3A_130 = vector.multi_reduction <add>, %convert_element_type3A_128, %reduce_sum3A_129 [0] : vector<256x4096xi32> to vector<4096xi32>
    %broadcast_in_dim3A_131 = vector.shape_cast %reduce_sum3A_130 : vector<4096xi32> to vector<1x4096xi32>
    %add3A_132 = arith.addi %add3A_109, %broadcast_in_dim3A_131 : vector<1x4096xi32>
    %get3A_133 = arith.constant 1536 : index
    %get3A_134 = arith.constant 0 : index
    %get3A_135 = vector.load %arg1[%get3A_133, %get3A_134] : memref<4096x1xf32, #tpu.memory_space<vmem>>, vector<256x1xf32>
    %iota3A_136 = tpu.iota {dimensions = array<i32: 0>} : vector<256x1xi32>
    %add3A_137 = arith.constant 1536 : i32
    %add3A_138 = vector.broadcast %add3A_137 : i32 to vector<256x1xi32>
    %add3A_139 = arith.addi %iota3A_136, %add3A_138 : vector<256x1xi32>
    %gt3A_140 = vector.broadcast %get3A_135 : vector<256x1xf32> to vector<256x4096xf32>
    %gt3A_141 = vector.broadcast %get3A_1 : vector<1x4096xf32> to vector<256x4096xf32>
    %gt3A_142 = arith.cmpf ogt, %gt3A_140, %gt3A_141 : vector<256x4096xf32>
    %eq3A_143 = vector.broadcast %get3A_135 : vector<256x1xf32> to vector<256x4096xf32>
    %eq3A_144 = vector.broadcast %get3A_1 : vector<1x4096xf32> to vector<256x4096xf32>
    %eq3A_145 = arith.cmpf oeq, %eq3A_143, %eq3A_144 : vector<256x4096xf32>
    %lt3A_146 = vector.broadcast %add3A_139 : vector<256x1xi32> to vector<256x4096xi32>
    %lt3A_147 = vector.broadcast %iota3A : vector<1x4096xi32> to vector<256x4096xi32>
    %lt3A_148 = arith.cmpi slt, %lt3A_146, %lt3A_147 : vector<256x4096xi32>
    %and3A_149 = arith.andi %eq3A_145, %lt3A_148 : vector<256x4096xi1>
    %or3A_150 = arith.ori %gt3A_142, %and3A_149 : vector<256x4096xi1>
    %convert_element_type3A_151 = arith.extui %or3A_150 : vector<256x4096xi1> to vector<256x4096xi32>
    %reduce_sum3A_152 = arith.constant dense<0> : vector<4096xi32>
    %reduce_sum3A_153 = vector.multi_reduction <add>, %convert_element_type3A_151, %reduce_sum3A_152 [0] : vector<256x4096xi32> to vector<4096xi32>
    %broadcast_in_dim3A_154 = vector.shape_cast %reduce_sum3A_153 : vector<4096xi32> to vector<1x4096xi32>
    %add3A_155 = arith.addi %add3A_132, %broadcast_in_dim3A_154 : vector<1x4096xi32>
    %get3A_156 = arith.constant 1792 : index
    %get3A_157 = arith.constant 0 : index
    %get3A_158 = vector.load %arg1[%get3A_156, %get3A_157] : memref<4096x1xf32, #tpu.memory_space<vmem>>, vector<256x1xf32>
    %iota3A_159 = tpu.iota {dimensions = array<i32: 0>} : vector<256x1xi32>
    %add3A_160 = arith.constant 1792 : i32
    %add3A_161 = vector.broadcast %add3A_160 : i32 to vector<256x1xi32>
    %add3A_162 = arith.addi %iota3A_159, %add3A_161 : vector<256x1xi32>
    %gt3A_163 = vector.broadcast %get3A_158 : vector<256x1xf32> to vector<256x4096xf32>
    %gt3A_164 = vector.broadcast %get3A_1 : vector<1x4096xf32> to vector<256x4096xf32>
    %gt3A_165 = arith.cmpf ogt, %gt3A_163, %gt3A_164 : vector<256x4096xf32>
    %eq3A_166 = vector.broadcast %get3A_158 : vector<256x1xf32> to vector<256x4096xf32>
    %eq3A_167 = vector.broadcast %get3A_1 : vector<1x4096xf32> to vector<256x4096xf32>
    %eq3A_168 = arith.cmpf oeq, %eq3A_166, %eq3A_167 : vector<256x4096xf32>
    %lt3A_169 = vector.broadcast %add3A_162 : vector<256x1xi32> to vector<256x4096xi32>
    %lt3A_170 = vector.broadcast %iota3A : vector<1x4096xi32> to vector<256x4096xi32>
    %lt3A_171 = arith.cmpi slt, %lt3A_169, %lt3A_170 : vector<256x4096xi32>
    %and3A_172 = arith.andi %eq3A_168, %lt3A_171 : vector<256x4096xi1>
    %or3A_173 = arith.ori %gt3A_165, %and3A_172 : vector<256x4096xi1>
    %convert_element_type3A_174 = arith.extui %or3A_173 : vector<256x4096xi1> to vector<256x4096xi32>
    %reduce_sum3A_175 = arith.constant dense<0> : vector<4096xi32>
    %reduce_sum3A_176 = vector.multi_reduction <add>, %convert_element_type3A_174, %reduce_sum3A_175 [0] : vector<256x4096xi32> to vector<4096xi32>
    %broadcast_in_dim3A_177 = vector.shape_cast %reduce_sum3A_176 : vector<4096xi32> to vector<1x4096xi32>
    %add3A_178 = arith.addi %add3A_155, %broadcast_in_dim3A_177 : vector<1x4096xi32>
    %get3A_179 = arith.constant 2048 : index
    %get3A_180 = arith.constant 0 : index
    %get3A_181 = vector.load %arg1[%get3A_179, %get3A_180] : memref<4096x1xf32, #tpu.memory_space<vmem>>, vector<256x1xf32>
    %iota3A_182 = tpu.iota {dimensions = array<i32: 0>} : vector<256x1xi32>
    %add3A_183 = arith.constant 2048 : i32
    %add3A_184 = vector.broadcast %add3A_183 : i32 to vector<256x1xi32>
    %add3A_185 = arith.addi %iota3A_182, %add3A_184 : vector<256x1xi32>
    %gt3A_186 = vector.broadcast %get3A_181 : vector<256x1xf32> to vector<256x4096xf32>
    %gt3A_187 = vector.broadcast %get3A_1 : vector<1x4096xf32> to vector<256x4096xf32>
    %gt3A_188 = arith.cmpf ogt, %gt3A_186, %gt3A_187 : vector<256x4096xf32>
    %eq3A_189 = vector.broadcast %get3A_181 : vector<256x1xf32> to vector<256x4096xf32>
    %eq3A_190 = vector.broadcast %get3A_1 : vector<1x4096xf32> to vector<256x4096xf32>
    %eq3A_191 = arith.cmpf oeq, %eq3A_189, %eq3A_190 : vector<256x4096xf32>
    %lt3A_192 = vector.broadcast %add3A_185 : vector<256x1xi32> to vector<256x4096xi32>
    %lt3A_193 = vector.broadcast %iota3A : vector<1x4096xi32> to vector<256x4096xi32>
    %lt3A_194 = arith.cmpi slt, %lt3A_192, %lt3A_193 : vector<256x4096xi32>
    %and3A_195 = arith.andi %eq3A_191, %lt3A_194 : vector<256x4096xi1>
    %or3A_196 = arith.ori %gt3A_188, %and3A_195 : vector<256x4096xi1>
    %convert_element_type3A_197 = arith.extui %or3A_196 : vector<256x4096xi1> to vector<256x4096xi32>
    %reduce_sum3A_198 = arith.constant dense<0> : vector<4096xi32>
    %reduce_sum3A_199 = vector.multi_reduction <add>, %convert_element_type3A_197, %reduce_sum3A_198 [0] : vector<256x4096xi32> to vector<4096xi32>
    %broadcast_in_dim3A_200 = vector.shape_cast %reduce_sum3A_199 : vector<4096xi32> to vector<1x4096xi32>
    %add3A_201 = arith.addi %add3A_178, %broadcast_in_dim3A_200 : vector<1x4096xi32>
    %get3A_202 = arith.constant 2304 : index
    %get3A_203 = arith.constant 0 : index
    %get3A_204 = vector.load %arg1[%get3A_202, %get3A_203] : memref<4096x1xf32, #tpu.memory_space<vmem>>, vector<256x1xf32>
    %iota3A_205 = tpu.iota {dimensions = array<i32: 0>} : vector<256x1xi32>
    %add3A_206 = arith.constant 2304 : i32
    %add3A_207 = vector.broadcast %add3A_206 : i32 to vector<256x1xi32>
    %add3A_208 = arith.addi %iota3A_205, %add3A_207 : vector<256x1xi32>
    %gt3A_209 = vector.broadcast %get3A_204 : vector<256x1xf32> to vector<256x4096xf32>
    %gt3A_210 = vector.broadcast %get3A_1 : vector<1x4096xf32> to vector<256x4096xf32>
    %gt3A_211 = arith.cmpf ogt, %gt3A_209, %gt3A_210 : vector<256x4096xf32>
    %eq3A_212 = vector.broadcast %get3A_204 : vector<256x1xf32> to vector<256x4096xf32>
    %eq3A_213 = vector.broadcast %get3A_1 : vector<1x4096xf32> to vector<256x4096xf32>
    %eq3A_214 = arith.cmpf oeq, %eq3A_212, %eq3A_213 : vector<256x4096xf32>
    %lt3A_215 = vector.broadcast %add3A_208 : vector<256x1xi32> to vector<256x4096xi32>
    %lt3A_216 = vector.broadcast %iota3A : vector<1x4096xi32> to vector<256x4096xi32>
    %lt3A_217 = arith.cmpi slt, %lt3A_215, %lt3A_216 : vector<256x4096xi32>
    %and3A_218 = arith.andi %eq3A_214, %lt3A_217 : vector<256x4096xi1>
    %or3A_219 = arith.ori %gt3A_211, %and3A_218 : vector<256x4096xi1>
    %convert_element_type3A_220 = arith.extui %or3A_219 : vector<256x4096xi1> to vector<256x4096xi32>
    %reduce_sum3A_221 = arith.constant dense<0> : vector<4096xi32>
    %reduce_sum3A_222 = vector.multi_reduction <add>, %convert_element_type3A_220, %reduce_sum3A_221 [0] : vector<256x4096xi32> to vector<4096xi32>
    %broadcast_in_dim3A_223 = vector.shape_cast %reduce_sum3A_222 : vector<4096xi32> to vector<1x4096xi32>
    %add3A_224 = arith.addi %add3A_201, %broadcast_in_dim3A_223 : vector<1x4096xi32>
    %get3A_225 = arith.constant 2560 : index
    %get3A_226 = arith.constant 0 : index
    %get3A_227 = vector.load %arg1[%get3A_225, %get3A_226] : memref<4096x1xf32, #tpu.memory_space<vmem>>, vector<256x1xf32>
    %iota3A_228 = tpu.iota {dimensions = array<i32: 0>} : vector<256x1xi32>
    %add3A_229 = arith.constant 2560 : i32
    %add3A_230 = vector.broadcast %add3A_229 : i32 to vector<256x1xi32>
    %add3A_231 = arith.addi %iota3A_228, %add3A_230 : vector<256x1xi32>
    %gt3A_232 = vector.broadcast %get3A_227 : vector<256x1xf32> to vector<256x4096xf32>
    %gt3A_233 = vector.broadcast %get3A_1 : vector<1x4096xf32> to vector<256x4096xf32>
    %gt3A_234 = arith.cmpf ogt, %gt3A_232, %gt3A_233 : vector<256x4096xf32>
    %eq3A_235 = vector.broadcast %get3A_227 : vector<256x1xf32> to vector<256x4096xf32>
    %eq3A_236 = vector.broadcast %get3A_1 : vector<1x4096xf32> to vector<256x4096xf32>
    %eq3A_237 = arith.cmpf oeq, %eq3A_235, %eq3A_236 : vector<256x4096xf32>
    %lt3A_238 = vector.broadcast %add3A_231 : vector<256x1xi32> to vector<256x4096xi32>
    %lt3A_239 = vector.broadcast %iota3A : vector<1x4096xi32> to vector<256x4096xi32>
    %lt3A_240 = arith.cmpi slt, %lt3A_238, %lt3A_239 : vector<256x4096xi32>
    %and3A_241 = arith.andi %eq3A_237, %lt3A_240 : vector<256x4096xi1>
    %or3A_242 = arith.ori %gt3A_234, %and3A_241 : vector<256x4096xi1>
    %convert_element_type3A_243 = arith.extui %or3A_242 : vector<256x4096xi1> to vector<256x4096xi32>
    %reduce_sum3A_244 = arith.constant dense<0> : vector<4096xi32>
    %reduce_sum3A_245 = vector.multi_reduction <add>, %convert_element_type3A_243, %reduce_sum3A_244 [0] : vector<256x4096xi32> to vector<4096xi32>
    %broadcast_in_dim3A_246 = vector.shape_cast %reduce_sum3A_245 : vector<4096xi32> to vector<1x4096xi32>
    %add3A_247 = arith.addi %add3A_224, %broadcast_in_dim3A_246 : vector<1x4096xi32>
    %get3A_248 = arith.constant 2816 : index
    %get3A_249 = arith.constant 0 : index
    %get3A_250 = vector.load %arg1[%get3A_248, %get3A_249] : memref<4096x1xf32, #tpu.memory_space<vmem>>, vector<256x1xf32>
    %iota3A_251 = tpu.iota {dimensions = array<i32: 0>} : vector<256x1xi32>
    %add3A_252 = arith.constant 2816 : i32
    %add3A_253 = vector.broadcast %add3A_252 : i32 to vector<256x1xi32>
    %add3A_254 = arith.addi %iota3A_251, %add3A_253 : vector<256x1xi32>
    %gt3A_255 = vector.broadcast %get3A_250 : vector<256x1xf32> to vector<256x4096xf32>
    %gt3A_256 = vector.broadcast %get3A_1 : vector<1x4096xf32> to vector<256x4096xf32>
    %gt3A_257 = arith.cmpf ogt, %gt3A_255, %gt3A_256 : vector<256x4096xf32>
    %eq3A_258 = vector.broadcast %get3A_250 : vector<256x1xf32> to vector<256x4096xf32>
    %eq3A_259 = vector.broadcast %get3A_1 : vector<1x4096xf32> to vector<256x4096xf32>
    %eq3A_260 = arith.cmpf oeq, %eq3A_258, %eq3A_259 : vector<256x4096xf32>
    %lt3A_261 = vector.broadcast %add3A_254 : vector<256x1xi32> to vector<256x4096xi32>
    %lt3A_262 = vector.broadcast %iota3A : vector<1x4096xi32> to vector<256x4096xi32>
    %lt3A_263 = arith.cmpi slt, %lt3A_261, %lt3A_262 : vector<256x4096xi32>
    %and3A_264 = arith.andi %eq3A_260, %lt3A_263 : vector<256x4096xi1>
    %or3A_265 = arith.ori %gt3A_257, %and3A_264 : vector<256x4096xi1>
    %convert_element_type3A_266 = arith.extui %or3A_265 : vector<256x4096xi1> to vector<256x4096xi32>
    %reduce_sum3A_267 = arith.constant dense<0> : vector<4096xi32>
    %reduce_sum3A_268 = vector.multi_reduction <add>, %convert_element_type3A_266, %reduce_sum3A_267 [0] : vector<256x4096xi32> to vector<4096xi32>
    %broadcast_in_dim3A_269 = vector.shape_cast %reduce_sum3A_268 : vector<4096xi32> to vector<1x4096xi32>
    %add3A_270 = arith.addi %add3A_247, %broadcast_in_dim3A_269 : vector<1x4096xi32>
    %get3A_271 = arith.constant 3072 : index
    %get3A_272 = arith.constant 0 : index
    %get3A_273 = vector.load %arg1[%get3A_271, %get3A_272] : memref<4096x1xf32, #tpu.memory_space<vmem>>, vector<256x1xf32>
    %iota3A_274 = tpu.iota {dimensions = array<i32: 0>} : vector<256x1xi32>
    %add3A_275 = arith.constant 3072 : i32
    %add3A_276 = vector.broadcast %add3A_275 : i32 to vector<256x1xi32>
    %add3A_277 = arith.addi %iota3A_274, %add3A_276 : vector<256x1xi32>
    %gt3A_278 = vector.broadcast %get3A_273 : vector<256x1xf32> to vector<256x4096xf32>
    %gt3A_279 = vector.broadcast %get3A_1 : vector<1x4096xf32> to vector<256x4096xf32>
    %gt3A_280 = arith.cmpf ogt, %gt3A_278, %gt3A_279 : vector<256x4096xf32>
    %eq3A_281 = vector.broadcast %get3A_273 : vector<256x1xf32> to vector<256x4096xf32>
    %eq3A_282 = vector.broadcast %get3A_1 : vector<1x4096xf32> to vector<256x4096xf32>
    %eq3A_283 = arith.cmpf oeq, %eq3A_281, %eq3A_282 : vector<256x4096xf32>
    %lt3A_284 = vector.broadcast %add3A_277 : vector<256x1xi32> to vector<256x4096xi32>
    %lt3A_285 = vector.broadcast %iota3A : vector<1x4096xi32> to vector<256x4096xi32>
    %lt3A_286 = arith.cmpi slt, %lt3A_284, %lt3A_285 : vector<256x4096xi32>
    %and3A_287 = arith.andi %eq3A_283, %lt3A_286 : vector<256x4096xi1>
    %or3A_288 = arith.ori %gt3A_280, %and3A_287 : vector<256x4096xi1>
    %convert_element_type3A_289 = arith.extui %or3A_288 : vector<256x4096xi1> to vector<256x4096xi32>
    %reduce_sum3A_290 = arith.constant dense<0> : vector<4096xi32>
    %reduce_sum3A_291 = vector.multi_reduction <add>, %convert_element_type3A_289, %reduce_sum3A_290 [0] : vector<256x4096xi32> to vector<4096xi32>
    %broadcast_in_dim3A_292 = vector.shape_cast %reduce_sum3A_291 : vector<4096xi32> to vector<1x4096xi32>
    %add3A_293 = arith.addi %add3A_270, %broadcast_in_dim3A_292 : vector<1x4096xi32>
    %get3A_294 = arith.constant 3328 : index
    %get3A_295 = arith.constant 0 : index
    %get3A_296 = vector.load %arg1[%get3A_294, %get3A_295] : memref<4096x1xf32, #tpu.memory_space<vmem>>, vector<256x1xf32>
    %iota3A_297 = tpu.iota {dimensions = array<i32: 0>} : vector<256x1xi32>
    %add3A_298 = arith.constant 3328 : i32
    %add3A_299 = vector.broadcast %add3A_298 : i32 to vector<256x1xi32>
    %add3A_300 = arith.addi %iota3A_297, %add3A_299 : vector<256x1xi32>
    %gt3A_301 = vector.broadcast %get3A_296 : vector<256x1xf32> to vector<256x4096xf32>
    %gt3A_302 = vector.broadcast %get3A_1 : vector<1x4096xf32> to vector<256x4096xf32>
    %gt3A_303 = arith.cmpf ogt, %gt3A_301, %gt3A_302 : vector<256x4096xf32>
    %eq3A_304 = vector.broadcast %get3A_296 : vector<256x1xf32> to vector<256x4096xf32>
    %eq3A_305 = vector.broadcast %get3A_1 : vector<1x4096xf32> to vector<256x4096xf32>
    %eq3A_306 = arith.cmpf oeq, %eq3A_304, %eq3A_305 : vector<256x4096xf32>
    %lt3A_307 = vector.broadcast %add3A_300 : vector<256x1xi32> to vector<256x4096xi32>
    %lt3A_308 = vector.broadcast %iota3A : vector<1x4096xi32> to vector<256x4096xi32>
    %lt3A_309 = arith.cmpi slt, %lt3A_307, %lt3A_308 : vector<256x4096xi32>
    %and3A_310 = arith.andi %eq3A_306, %lt3A_309 : vector<256x4096xi1>
    %or3A_311 = arith.ori %gt3A_303, %and3A_310 : vector<256x4096xi1>
    %convert_element_type3A_312 = arith.extui %or3A_311 : vector<256x4096xi1> to vector<256x4096xi32>
    %reduce_sum3A_313 = arith.constant dense<0> : vector<4096xi32>
    %reduce_sum3A_314 = vector.multi_reduction <add>, %convert_element_type3A_312, %reduce_sum3A_313 [0] : vector<256x4096xi32> to vector<4096xi32>
    %broadcast_in_dim3A_315 = vector.shape_cast %reduce_sum3A_314 : vector<4096xi32> to vector<1x4096xi32>
    %add3A_316 = arith.addi %add3A_293, %broadcast_in_dim3A_315 : vector<1x4096xi32>
    %get3A_317 = arith.constant 3584 : index
    %get3A_318 = arith.constant 0 : index
    %get3A_319 = vector.load %arg1[%get3A_317, %get3A_318] : memref<4096x1xf32, #tpu.memory_space<vmem>>, vector<256x1xf32>
    %iota3A_320 = tpu.iota {dimensions = array<i32: 0>} : vector<256x1xi32>
    %add3A_321 = arith.constant 3584 : i32
    %add3A_322 = vector.broadcast %add3A_321 : i32 to vector<256x1xi32>
    %add3A_323 = arith.addi %iota3A_320, %add3A_322 : vector<256x1xi32>
    %gt3A_324 = vector.broadcast %get3A_319 : vector<256x1xf32> to vector<256x4096xf32>
    %gt3A_325 = vector.broadcast %get3A_1 : vector<1x4096xf32> to vector<256x4096xf32>
    %gt3A_326 = arith.cmpf ogt, %gt3A_324, %gt3A_325 : vector<256x4096xf32>
    %eq3A_327 = vector.broadcast %get3A_319 : vector<256x1xf32> to vector<256x4096xf32>
    %eq3A_328 = vector.broadcast %get3A_1 : vector<1x4096xf32> to vector<256x4096xf32>
    %eq3A_329 = arith.cmpf oeq, %eq3A_327, %eq3A_328 : vector<256x4096xf32>
    %lt3A_330 = vector.broadcast %add3A_323 : vector<256x1xi32> to vector<256x4096xi32>
    %lt3A_331 = vector.broadcast %iota3A : vector<1x4096xi32> to vector<256x4096xi32>
    %lt3A_332 = arith.cmpi slt, %lt3A_330, %lt3A_331 : vector<256x4096xi32>
    %and3A_333 = arith.andi %eq3A_329, %lt3A_332 : vector<256x4096xi1>
    %or3A_334 = arith.ori %gt3A_326, %and3A_333 : vector<256x4096xi1>
    %convert_element_type3A_335 = arith.extui %or3A_334 : vector<256x4096xi1> to vector<256x4096xi32>
    %reduce_sum3A_336 = arith.constant dense<0> : vector<4096xi32>
    %reduce_sum3A_337 = vector.multi_reduction <add>, %convert_element_type3A_335, %reduce_sum3A_336 [0] : vector<256x4096xi32> to vector<4096xi32>
    %broadcast_in_dim3A_338 = vector.shape_cast %reduce_sum3A_337 : vector<4096xi32> to vector<1x4096xi32>
    %add3A_339 = arith.addi %add3A_316, %broadcast_in_dim3A_338 : vector<1x4096xi32>
    %get3A_340 = arith.constant 3840 : index
    %get3A_341 = arith.constant 0 : index
    %get3A_342 = vector.load %arg1[%get3A_340, %get3A_341] : memref<4096x1xf32, #tpu.memory_space<vmem>>, vector<256x1xf32>
    %iota3A_343 = tpu.iota {dimensions = array<i32: 0>} : vector<256x1xi32>
    %add3A_344 = arith.constant 3840 : i32
    %add3A_345 = vector.broadcast %add3A_344 : i32 to vector<256x1xi32>
    %add3A_346 = arith.addi %iota3A_343, %add3A_345 : vector<256x1xi32>
    %gt3A_347 = vector.broadcast %get3A_342 : vector<256x1xf32> to vector<256x4096xf32>
    %gt3A_348 = vector.broadcast %get3A_1 : vector<1x4096xf32> to vector<256x4096xf32>
    %gt3A_349 = arith.cmpf ogt, %gt3A_347, %gt3A_348 : vector<256x4096xf32>
    %eq3A_350 = vector.broadcast %get3A_342 : vector<256x1xf32> to vector<256x4096xf32>
    %eq3A_351 = vector.broadcast %get3A_1 : vector<1x4096xf32> to vector<256x4096xf32>
    %eq3A_352 = arith.cmpf oeq, %eq3A_350, %eq3A_351 : vector<256x4096xf32>
    %lt3A_353 = vector.broadcast %add3A_346 : vector<256x1xi32> to vector<256x4096xi32>
    %lt3A_354 = vector.broadcast %iota3A : vector<1x4096xi32> to vector<256x4096xi32>
    %lt3A_355 = arith.cmpi slt, %lt3A_353, %lt3A_354 : vector<256x4096xi32>
    %and3A_356 = arith.andi %eq3A_352, %lt3A_355 : vector<256x4096xi1>
    %or3A_357 = arith.ori %gt3A_349, %and3A_356 : vector<256x4096xi1>
    %convert_element_type3A_358 = arith.extui %or3A_357 : vector<256x4096xi1> to vector<256x4096xi32>
    %reduce_sum3A_359 = arith.constant dense<0> : vector<4096xi32>
    %reduce_sum3A_360 = vector.multi_reduction <add>, %convert_element_type3A_358, %reduce_sum3A_359 [0] : vector<256x4096xi32> to vector<4096xi32>
    %broadcast_in_dim3A_361 = vector.shape_cast %reduce_sum3A_360 : vector<4096xi32> to vector<1x4096xi32>
    %add3A_362 = arith.addi %add3A_339, %broadcast_in_dim3A_361 : vector<1x4096xi32>
    %convert_element_type3A_363 = arith.sitofp %iota3A : vector<1x4096xi32> to vector<1x4096xf32>
    %iota3A_364 = tpu.iota {dimensions = array<i32: 0>} : vector<256x1xi32>
    %add3A_365 = arith.constant 0 : i32
    %add3A_366 = vector.broadcast %add3A_365 : i32 to vector<256x1xi32>
    %add3A_367 = arith.addi %iota3A_364, %add3A_366 : vector<256x1xi32>
    %eq3A_368 = vector.broadcast %add3A_362 : vector<1x4096xi32> to vector<256x4096xi32>
    %eq3A_369 = vector.broadcast %add3A_367 : vector<256x1xi32> to vector<256x4096xi32>
    %eq3A_370 = arith.cmpi eq, %eq3A_368, %eq3A_369 : vector<256x4096xi32>
    %convert_element_type3A_371 = arith.extui %eq3A_370 : vector<256x4096xi1> to vector<256x4096xi32>
    %convert_element_type3A_372 = arith.sitofp %convert_element_type3A_371 : vector<256x4096xi32> to vector<256x4096xf32>
    %get3A_373 = arith.constant 0 : index
    %get3A_374 = arith.constant 0 : index
    %get3A_375 = vector.load %arg2[%get3A_373, %get3A_374] : memref<4096x128xbf16, #tpu.memory_space<vmem>>, vector<4096x128xbf16>
    %convert_element_type3A_376 = arith.truncf %convert_element_type3A_372 : vector<256x4096xf32> to vector<256x4096xbf16>
    %dot_general3A = arith.constant dense<0.000000e+00> : vector<256x128xf32>
    %dot_general3A_377 = tpu.matmul %convert_element_type3A_376, %get3A_375, %dot_general3A {dimension_numbers = #tpu.dot_dimension_numbers<[1], [0], [0], [1], [0, 0, 1, 1], [], []>, transpose_lhs_hint = false} : vector<256x4096xbf16>, vector<4096x128xbf16>, vector<256x128xf32> -> vector<256x128xf32>
    %convert_element_type3A_378 = arith.truncf %dot_general3A_377 : vector<256x128xf32> to vector<256x128xbf16>
    %swap3A = arith.constant 0 : index
    %swap3A_379 = arith.constant 0 : index
    %swap3A_380 = vector.load %arg3[%swap3A, %swap3A_379] : memref<2048x128xbf16, #tpu.memory_space<vmem>>, vector<256x128xbf16>
    tpu.vector_store %arg3[%swap3A, %swap3A_379], %convert_element_type3A_378 {strides = array<i32>} : memref<2048x128xbf16, #tpu.memory_space<vmem>>, vector<256x128xbf16>,
    %mul3A = vector.broadcast %convert_element_type3A_363 : vector<1x4096xf32> to vector<256x4096xf32>
    %mul3A_381 = arith.mulf %convert_element_type3A_372, %mul3A : vector<256x4096xf32>
    %reduce_sum3A_382 = arith.constant dense<0.000000e+00> : vector<256xf32>
    %reduce_sum3A_383 = vector.multi_reduction <add>, %mul3A_381, %reduce_sum3A_382 [1] : vector<256x4096xf32> to vector<256xf32>
    %broadcast_in_dim3A_384 = vector.shape_cast %reduce_sum3A_383 : vector<256xf32> to vector<256x1xf32>
    %swap3A_385 = arith.constant 0 : index
    %swap3A_386 = arith.constant 0 : index
    %swap3A_387 = vector.load %arg4[%swap3A_385, %swap3A_386] : memref<2048x1xf32, #tpu.memory_space<vmem>>, vector<256x1xf32>
    tpu.vector_store %arg4[%swap3A_385, %swap3A_386], %broadcast_in_dim3A_384 {strides = array<i32>} : memref<2048x1xf32, #tpu.memory_space<vmem>>, vector<256x1xf32>,
    %iota3A_388 = tpu.iota {dimensions = array<i32: 0>} : vector<256x1xi32>
    %add3A_389 = arith.constant 256 : i32
    %add3A_390 = vector.broadcast %add3A_389 : i32 to vector<256x1xi32>
    %add3A_391 = arith.addi %iota3A_388, %add3A_390 : vector<256x1xi32>
    %eq3A_392 = vector.broadcast %add3A_362 : vector<1x4096xi32> to vector<256x4096xi32>
    %eq3A_393 = vector.broadcast %add3A_391 : vector<256x1xi32> to vector<256x4096xi32>
    %eq3A_394 = arith.cmpi eq, %eq3A_392, %eq3A_393 : vector<256x4096xi32>
    %convert_element_type3A_395 = arith.extui %eq3A_394 : vector<256x4096xi1> to vector<256x4096xi32>
    %convert_element_type3A_396 = arith.sitofp %convert_element_type3A_395 : vector<256x4096xi32> to vector<256x4096xf32>
    %get3A_397 = arith.constant 0 : index
    %get3A_398 = arith.constant 0 : index
    %get3A_399 = vector.load %arg2[%get3A_397, %get3A_398] : memref<4096x128xbf16, #tpu.memory_space<vmem>>, vector<4096x128xbf16>
    %convert_element_type3A_400 = arith.truncf %convert_element_type3A_396 : vector<256x4096xf32> to vector<256x4096xbf16>
    %dot_general3A_401 = arith.constant dense<0.000000e+00> : vector<256x128xf32>
    %dot_general3A_402 = tpu.matmul %convert_element_type3A_400, %get3A_399, %dot_general3A_401 {dimension_numbers = #tpu.dot_dimension_numbers<[1], [0], [0], [1], [0, 0, 1, 1], [], []>, transpose_lhs_hint = false} : vector<256x4096xbf16>, vector<4096x128xbf16>, vector<256x128xf32> -> vector<256x128xf32>
    %convert_element_type3A_403 = arith.truncf %dot_general3A_402 : vector<256x128xf32> to vector<256x128xbf16>
    %swap3A_404 = arith.constant 256 : index
    %swap3A_405 = arith.constant 0 : index
    %swap3A_406 = vector.load %arg3[%swap3A_404, %swap3A_405] : memref<2048x128xbf16, #tpu.memory_space<vmem>>, vector<256x128xbf16>
    tpu.vector_store %arg3[%swap3A_404, %swap3A_405], %convert_element_type3A_403 {strides = array<i32>} : memref<2048x128xbf16, #tpu.memory_space<vmem>>, vector<256x128xbf16>,
    %mul3A_407 = vector.broadcast %convert_element_type3A_363 : vector<1x4096xf32> to vector<256x4096xf32>
    %mul3A_408 = arith.mulf %convert_element_type3A_396, %mul3A_407 : vector<256x4096xf32>
    %reduce_sum3A_409 = arith.constant dense<0.000000e+00> : vector<256xf32>
    %reduce_sum3A_410 = vector.multi_reduction <add>, %mul3A_408, %reduce_sum3A_409 [1] : vector<256x4096xf32> to vector<256xf32>
    %broadcast_in_dim3A_411 = vector.shape_cast %reduce_sum3A_410 : vector<256xf32> to vector<256x1xf32>
    %swap3A_412 = arith.constant 256 : index
    %swap3A_413 = arith.constant 0 : index
    %swap3A_414 = vector.load %arg4[%swap3A_412, %swap3A_413] : memref<2048x1xf32, #tpu.memory_space<vmem>>, vector<256x1xf32>
    tpu.vector_store %arg4[%swap3A_412, %swap3A_413], %broadcast_in_dim3A_411 {strides = array<i32>} : memref<2048x1xf32, #tpu.memory_space<vmem>>, vector<256x1xf32>,
    %iota3A_415 = tpu.iota {dimensions = array<i32: 0>} : vector<256x1xi32>
    %add3A_416 = arith.constant 512 : i32
    %add3A_417 = vector.broadcast %add3A_416 : i32 to vector<256x1xi32>
    %add3A_418 = arith.addi %iota3A_415, %add3A_417 : vector<256x1xi32>
    %eq3A_419 = vector.broadcast %add3A_362 : vector<1x4096xi32> to vector<256x4096xi32>
    %eq3A_420 = vector.broadcast %add3A_418 : vector<256x1xi32> to vector<256x4096xi32>
    %eq3A_421 = arith.cmpi eq, %eq3A_419, %eq3A_420 : vector<256x4096xi32>
    %convert_element_type3A_422 = arith.extui %eq3A_421 : vector<256x4096xi1> to vector<256x4096xi32>
    %convert_element_type3A_423 = arith.sitofp %convert_element_type3A_422 : vector<256x4096xi32> to vector<256x4096xf32>
    %get3A_424 = arith.constant 0 : index
    %get3A_425 = arith.constant 0 : index
    %get3A_426 = vector.load %arg2[%get3A_424, %get3A_425] : memref<4096x128xbf16, #tpu.memory_space<vmem>>, vector<4096x128xbf16>
    %convert_element_type3A_427 = arith.truncf %convert_element_type3A_423 : vector<256x4096xf32> to vector<256x4096xbf16>
    %dot_general3A_428 = arith.constant dense<0.000000e+00> : vector<256x128xf32>
    %dot_general3A_429 = tpu.matmul %convert_element_type3A_427, %get3A_426, %dot_general3A_428 {dimension_numbers = #tpu.dot_dimension_numbers<[1], [0], [0], [1], [0, 0, 1, 1], [], []>, transpose_lhs_hint = false} : vector<256x4096xbf16>, vector<4096x128xbf16>, vector<256x128xf32> -> vector<256x128xf32>
    %convert_element_type3A_430 = arith.truncf %dot_general3A_429 : vector<256x128xf32> to vector<256x128xbf16>
    %swap3A_431 = arith.constant 512 : index
    %swap3A_432 = arith.constant 0 : index
    %swap3A_433 = vector.load %arg3[%swap3A_431, %swap3A_432] : memref<2048x128xbf16, #tpu.memory_space<vmem>>, vector<256x128xbf16>
    tpu.vector_store %arg3[%swap3A_431, %swap3A_432], %convert_element_type3A_430 {strides = array<i32>} : memref<2048x128xbf16, #tpu.memory_space<vmem>>, vector<256x128xbf16>,
    %mul3A_434 = vector.broadcast %convert_element_type3A_363 : vector<1x4096xf32> to vector<256x4096xf32>
    %mul3A_435 = arith.mulf %convert_element_type3A_423, %mul3A_434 : vector<256x4096xf32>
    %reduce_sum3A_436 = arith.constant dense<0.000000e+00> : vector<256xf32>
    %reduce_sum3A_437 = vector.multi_reduction <add>, %mul3A_435, %reduce_sum3A_436 [1] : vector<256x4096xf32> to vector<256xf32>
    %broadcast_in_dim3A_438 = vector.shape_cast %reduce_sum3A_437 : vector<256xf32> to vector<256x1xf32>
    %swap3A_439 = arith.constant 512 : index
    %swap3A_440 = arith.constant 0 : index
    %swap3A_441 = vector.load %arg4[%swap3A_439, %swap3A_440] : memref<2048x1xf32, #tpu.memory_space<vmem>>, vector<256x1xf32>
    tpu.vector_store %arg4[%swap3A_439, %swap3A_440], %broadcast_in_dim3A_438 {strides = array<i32>} : memref<2048x1xf32, #tpu.memory_space<vmem>>, vector<256x1xf32>,
    %iota3A_442 = tpu.iota {dimensions = array<i32: 0>} : vector<256x1xi32>
    %add3A_443 = arith.constant 768 : i32
    %add3A_444 = vector.broadcast %add3A_443 : i32 to vector<256x1xi32>
    %add3A_445 = arith.addi %iota3A_442, %add3A_444 : vector<256x1xi32>
    %eq3A_446 = vector.broadcast %add3A_362 : vector<1x4096xi32> to vector<256x4096xi32>
    %eq3A_447 = vector.broadcast %add3A_445 : vector<256x1xi32> to vector<256x4096xi32>
    %eq3A_448 = arith.cmpi eq, %eq3A_446, %eq3A_447 : vector<256x4096xi32>
    %convert_element_type3A_449 = arith.extui %eq3A_448 : vector<256x4096xi1> to vector<256x4096xi32>
    %convert_element_type3A_450 = arith.sitofp %convert_element_type3A_449 : vector<256x4096xi32> to vector<256x4096xf32>
    %get3A_451 = arith.constant 0 : index
    %get3A_452 = arith.constant 0 : index
    %get3A_453 = vector.load %arg2[%get3A_451, %get3A_452] : memref<4096x128xbf16, #tpu.memory_space<vmem>>, vector<4096x128xbf16>
    %convert_element_type3A_454 = arith.truncf %convert_element_type3A_450 : vector<256x4096xf32> to vector<256x4096xbf16>
    %dot_general3A_455 = arith.constant dense<0.000000e+00> : vector<256x128xf32>
    %dot_general3A_456 = tpu.matmul %convert_element_type3A_454, %get3A_453, %dot_general3A_455 {dimension_numbers = #tpu.dot_dimension_numbers<[1], [0], [0], [1], [0, 0, 1, 1], [], []>, transpose_lhs_hint = false} : vector<256x4096xbf16>, vector<4096x128xbf16>, vector<256x128xf32> -> vector<256x128xf32>
    %convert_element_type3A_457 = arith.truncf %dot_general3A_456 : vector<256x128xf32> to vector<256x128xbf16>
    %swap3A_458 = arith.constant 768 : index
    %swap3A_459 = arith.constant 0 : index
    %swap3A_460 = vector.load %arg3[%swap3A_458, %swap3A_459] : memref<2048x128xbf16, #tpu.memory_space<vmem>>, vector<256x128xbf16>
    tpu.vector_store %arg3[%swap3A_458, %swap3A_459], %convert_element_type3A_457 {strides = array<i32>} : memref<2048x128xbf16, #tpu.memory_space<vmem>>, vector<256x128xbf16>,
    %mul3A_461 = vector.broadcast %convert_element_type3A_363 : vector<1x4096xf32> to vector<256x4096xf32>
    %mul3A_462 = arith.mulf %convert_element_type3A_450, %mul3A_461 : vector<256x4096xf32>
    %reduce_sum3A_463 = arith.constant dense<0.000000e+00> : vector<256xf32>
    %reduce_sum3A_464 = vector.multi_reduction <add>, %mul3A_462, %reduce_sum3A_463 [1] : vector<256x4096xf32> to vector<256xf32>
    %broadcast_in_dim3A_465 = vector.shape_cast %reduce_sum3A_464 : vector<256xf32> to vector<256x1xf32>
    %swap3A_466 = arith.constant 768 : index
    %swap3A_467 = arith.constant 0 : index
    %swap3A_468 = vector.load %arg4[%swap3A_466, %swap3A_467] : memref<2048x1xf32, #tpu.memory_space<vmem>>, vector<256x1xf32>
    tpu.vector_store %arg4[%swap3A_466, %swap3A_467], %broadcast_in_dim3A_465 {strides = array<i32>} : memref<2048x1xf32, #tpu.memory_space<vmem>>, vector<256x1xf32>,
    %iota3A_469 = tpu.iota {dimensions = array<i32: 0>} : vector<256x1xi32>
    %add3A_470 = arith.constant 1024 : i32
    %add3A_471 = vector.broadcast %add3A_470 : i32 to vector<256x1xi32>
    %add3A_472 = arith.addi %iota3A_469, %add3A_471 : vector<256x1xi32>
    %eq3A_473 = vector.broadcast %add3A_362 : vector<1x4096xi32> to vector<256x4096xi32>
    %eq3A_474 = vector.broadcast %add3A_472 : vector<256x1xi32> to vector<256x4096xi32>
    %eq3A_475 = arith.cmpi eq, %eq3A_473, %eq3A_474 : vector<256x4096xi32>
    %convert_element_type3A_476 = arith.extui %eq3A_475 : vector<256x4096xi1> to vector<256x4096xi32>
    %convert_element_type3A_477 = arith.sitofp %convert_element_type3A_476 : vector<256x4096xi32> to vector<256x4096xf32>
    %get3A_478 = arith.constant 0 : index
    %get3A_479 = arith.constant 0 : index
    %get3A_480 = vector.load %arg2[%get3A_478, %get3A_479] : memref<4096x128xbf16, #tpu.memory_space<vmem>>, vector<4096x128xbf16>
    %convert_element_type3A_481 = arith.truncf %convert_element_type3A_477 : vector<256x4096xf32> to vector<256x4096xbf16>
    %dot_general3A_482 = arith.constant dense<0.000000e+00> : vector<256x128xf32>
    %dot_general3A_483 = tpu.matmul %convert_element_type3A_481, %get3A_480, %dot_general3A_482 {dimension_numbers = #tpu.dot_dimension_numbers<[1], [0], [0], [1], [0, 0, 1, 1], [], []>, transpose_lhs_hint = false} : vector<256x4096xbf16>, vector<4096x128xbf16>, vector<256x128xf32> -> vector<256x128xf32>
    %convert_element_type3A_484 = arith.truncf %dot_general3A_483 : vector<256x128xf32> to vector<256x128xbf16>
    %swap3A_485 = arith.constant 1024 : index
    %swap3A_486 = arith.constant 0 : index
    %swap3A_487 = vector.load %arg3[%swap3A_485, %swap3A_486] : memref<2048x128xbf16, #tpu.memory_space<vmem>>, vector<256x128xbf16>
    tpu.vector_store %arg3[%swap3A_485, %swap3A_486], %convert_element_type3A_484 {strides = array<i32>} : memref<2048x128xbf16, #tpu.memory_space<vmem>>, vector<256x128xbf16>,
    %mul3A_488 = vector.broadcast %convert_element_type3A_363 : vector<1x4096xf32> to vector<256x4096xf32>
    %mul3A_489 = arith.mulf %convert_element_type3A_477, %mul3A_488 : vector<256x4096xf32>
    %reduce_sum3A_490 = arith.constant dense<0.000000e+00> : vector<256xf32>
    %reduce_sum3A_491 = vector.multi_reduction <add>, %mul3A_489, %reduce_sum3A_490 [1] : vector<256x4096xf32> to vector<256xf32>
    %broadcast_in_dim3A_492 = vector.shape_cast %reduce_sum3A_491 : vector<256xf32> to vector<256x1xf32>
    %swap3A_493 = arith.constant 1024 : index
    %swap3A_494 = arith.constant 0 : index
    %swap3A_495 = vector.load %arg4[%swap3A_493, %swap3A_494] : memref<2048x1xf32, #tpu.memory_space<vmem>>, vector<256x1xf32>
    tpu.vector_store %arg4[%swap3A_493, %swap3A_494], %broadcast_in_dim3A_492 {strides = array<i32>} : memref<2048x1xf32, #tpu.memory_space<vmem>>, vector<256x1xf32>,
    %iota3A_496 = tpu.iota {dimensions = array<i32: 0>} : vector<256x1xi32>
    %add3A_497 = arith.constant 1280 : i32
    %add3A_498 = vector.broadcast %add3A_497 : i32 to vector<256x1xi32>
    %add3A_499 = arith.addi %iota3A_496, %add3A_498 : vector<256x1xi32>
    %eq3A_500 = vector.broadcast %add3A_362 : vector<1x4096xi32> to vector<256x4096xi32>
    %eq3A_501 = vector.broadcast %add3A_499 : vector<256x1xi32> to vector<256x4096xi32>
    %eq3A_502 = arith.cmpi eq, %eq3A_500, %eq3A_501 : vector<256x4096xi32>
    %convert_element_type3A_503 = arith.extui %eq3A_502 : vector<256x4096xi1> to vector<256x4096xi32>
    %convert_element_type3A_504 = arith.sitofp %convert_element_type3A_503 : vector<256x4096xi32> to vector<256x4096xf32>
    %get3A_505 = arith.constant 0 : index
    %get3A_506 = arith.constant 0 : index
    %get3A_507 = vector.load %arg2[%get3A_505, %get3A_506] : memref<4096x128xbf16, #tpu.memory_space<vmem>>, vector<4096x128xbf16>
    %convert_element_type3A_508 = arith.truncf %convert_element_type3A_504 : vector<256x4096xf32> to vector<256x4096xbf16>
    %dot_general3A_509 = arith.constant dense<0.000000e+00> : vector<256x128xf32>
    %dot_general3A_510 = tpu.matmul %convert_element_type3A_508, %get3A_507, %dot_general3A_509 {dimension_numbers = #tpu.dot_dimension_numbers<[1], [0], [0], [1], [0, 0, 1, 1], [], []>, transpose_lhs_hint = false} : vector<256x4096xbf16>, vector<4096x128xbf16>, vector<256x128xf32> -> vector<256x128xf32>
    %convert_element_type3A_511 = arith.truncf %dot_general3A_510 : vector<256x128xf32> to vector<256x128xbf16>
    %swap3A_512 = arith.constant 1280 : index
    %swap3A_513 = arith.constant 0 : index
    %swap3A_514 = vector.load %arg3[%swap3A_512, %swap3A_513] : memref<2048x128xbf16, #tpu.memory_space<vmem>>, vector<256x128xbf16>
    tpu.vector_store %arg3[%swap3A_512, %swap3A_513], %convert_element_type3A_511 {strides = array<i32>} : memref<2048x128xbf16, #tpu.memory_space<vmem>>, vector<256x128xbf16>,
    %mul3A_515 = vector.broadcast %convert_element_type3A_363 : vector<1x4096xf32> to vector<256x4096xf32>
    %mul3A_516 = arith.mulf %convert_element_type3A_504, %mul3A_515 : vector<256x4096xf32>
    %reduce_sum3A_517 = arith.constant dense<0.000000e+00> : vector<256xf32>
    %reduce_sum3A_518 = vector.multi_reduction <add>, %mul3A_516, %reduce_sum3A_517 [1] : vector<256x4096xf32> to vector<256xf32>
    %broadcast_in_dim3A_519 = vector.shape_cast %reduce_sum3A_518 : vector<256xf32> to vector<256x1xf32>
    %swap3A_520 = arith.constant 1280 : index
    %swap3A_521 = arith.constant 0 : index
    %swap3A_522 = vector.load %arg4[%swap3A_520, %swap3A_521] : memref<2048x1xf32, #tpu.memory_space<vmem>>, vector<256x1xf32>
    tpu.vector_store %arg4[%swap3A_520, %swap3A_521], %broadcast_in_dim3A_519 {strides = array<i32>} : memref<2048x1xf32, #tpu.memory_space<vmem>>, vector<256x1xf32>,
    %iota3A_523 = tpu.iota {dimensions = array<i32: 0>} : vector<256x1xi32>
    %add3A_524 = arith.constant 1536 : i32
    %add3A_525 = vector.broadcast %add3A_524 : i32 to vector<256x1xi32>
    %add3A_526 = arith.addi %iota3A_523, %add3A_525 : vector<256x1xi32>
    %eq3A_527 = vector.broadcast %add3A_362 : vector<1x4096xi32> to vector<256x4096xi32>
    %eq3A_528 = vector.broadcast %add3A_526 : vector<256x1xi32> to vector<256x4096xi32>
    %eq3A_529 = arith.cmpi eq, %eq3A_527, %eq3A_528 : vector<256x4096xi32>
    %convert_element_type3A_530 = arith.extui %eq3A_529 : vector<256x4096xi1> to vector<256x4096xi32>
    %convert_element_type3A_531 = arith.sitofp %convert_element_type3A_530 : vector<256x4096xi32> to vector<256x4096xf32>
    %get3A_532 = arith.constant 0 : index
    %get3A_533 = arith.constant 0 : index
    %get3A_534 = vector.load %arg2[%get3A_532, %get3A_533] : memref<4096x128xbf16, #tpu.memory_space<vmem>>, vector<4096x128xbf16>
    %convert_element_type3A_535 = arith.truncf %convert_element_type3A_531 : vector<256x4096xf32> to vector<256x4096xbf16>
    %dot_general3A_536 = arith.constant dense<0.000000e+00> : vector<256x128xf32>
    %dot_general3A_537 = tpu.matmul %convert_element_type3A_535, %get3A_534, %dot_general3A_536 {dimension_numbers = #tpu.dot_dimension_numbers<[1], [0], [0], [1], [0, 0, 1, 1], [], []>, transpose_lhs_hint = false} : vector<256x4096xbf16>, vector<4096x128xbf16>, vector<256x128xf32> -> vector<256x128xf32>
    %convert_element_type3A_538 = arith.truncf %dot_general3A_537 : vector<256x128xf32> to vector<256x128xbf16>
    %swap3A_539 = arith.constant 1536 : index
    %swap3A_540 = arith.constant 0 : index
    %swap3A_541 = vector.load %arg3[%swap3A_539, %swap3A_540] : memref<2048x128xbf16, #tpu.memory_space<vmem>>, vector<256x128xbf16>
    tpu.vector_store %arg3[%swap3A_539, %swap3A_540], %convert_element_type3A_538 {strides = array<i32>} : memref<2048x128xbf16, #tpu.memory_space<vmem>>, vector<256x128xbf16>,
    %mul3A_542 = vector.broadcast %convert_element_type3A_363 : vector<1x4096xf32> to vector<256x4096xf32>
    %mul3A_543 = arith.mulf %convert_element_type3A_531, %mul3A_542 : vector<256x4096xf32>
    %reduce_sum3A_544 = arith.constant dense<0.000000e+00> : vector<256xf32>
    %reduce_sum3A_545 = vector.multi_reduction <add>, %mul3A_543, %reduce_sum3A_544 [1] : vector<256x4096xf32> to vector<256xf32>
    %broadcast_in_dim3A_546 = vector.shape_cast %reduce_sum3A_545 : vector<256xf32> to vector<256x1xf32>
    %swap3A_547 = arith.constant 1536 : index
    %swap3A_548 = arith.constant 0 : index
    %swap3A_549 = vector.load %arg4[%swap3A_547, %swap3A_548] : memref<2048x1xf32, #tpu.memory_space<vmem>>, vector<256x1xf32>
    tpu.vector_store %arg4[%swap3A_547, %swap3A_548], %broadcast_in_dim3A_546 {strides = array<i32>} : memref<2048x1xf32, #tpu.memory_space<vmem>>, vector<256x1xf32>,
    %iota3A_550 = tpu.iota {dimensions = array<i32: 0>} : vector<256x1xi32>
    %add3A_551 = arith.constant 1792 : i32
    %add3A_552 = vector.broadcast %add3A_551 : i32 to vector<256x1xi32>
    %add3A_553 = arith.addi %iota3A_550, %add3A_552 : vector<256x1xi32>
    %eq3A_554 = vector.broadcast %add3A_362 : vector<1x4096xi32> to vector<256x4096xi32>
    %eq3A_555 = vector.broadcast %add3A_553 : vector<256x1xi32> to vector<256x4096xi32>
    %eq3A_556 = arith.cmpi eq, %eq3A_554, %eq3A_555 : vector<256x4096xi32>
    %convert_element_type3A_557 = arith.extui %eq3A_556 : vector<256x4096xi1> to vector<256x4096xi32>
    %convert_element_type3A_558 = arith.sitofp %convert_element_type3A_557 : vector<256x4096xi32> to vector<256x4096xf32>
    %get3A_559 = arith.constant 0 : index
    %get3A_560 = arith.constant 0 : index
    %get3A_561 = vector.load %arg2[%get3A_559, %get3A_560] : memref<4096x128xbf16, #tpu.memory_space<vmem>>, vector<4096x128xbf16>
    %convert_element_type3A_562 = arith.truncf %convert_element_type3A_558 : vector<256x4096xf32> to vector<256x4096xbf16>
    %dot_general3A_563 = arith.constant dense<0.000000e+00> : vector<256x128xf32>
    %dot_general3A_564 = tpu.matmul %convert_element_type3A_562, %get3A_561, %dot_general3A_563 {dimension_numbers = #tpu.dot_dimension_numbers<[1], [0], [0], [1], [0, 0, 1, 1], [], []>, transpose_lhs_hint = false} : vector<256x4096xbf16>, vector<4096x128xbf16>, vector<256x128xf32> -> vector<256x128xf32>
    %convert_element_type3A_565 = arith.truncf %dot_general3A_564 : vector<256x128xf32> to vector<256x128xbf16>
    %swap3A_566 = arith.constant 1792 : index
    %swap3A_567 = arith.constant 0 : index
    %swap3A_568 = vector.load %arg3[%swap3A_566, %swap3A_567] : memref<2048x128xbf16, #tpu.memory_space<vmem>>, vector<256x128xbf16>
    tpu.vector_store %arg3[%swap3A_566, %swap3A_567], %convert_element_type3A_565 {strides = array<i32>} : memref<2048x128xbf16, #tpu.memory_space<vmem>>, vector<256x128xbf16>,
    %mul3A_569 = vector.broadcast %convert_element_type3A_363 : vector<1x4096xf32> to vector<256x4096xf32>
    %mul3A_570 = arith.mulf %convert_element_type3A_558, %mul3A_569 : vector<256x4096xf32>
    %reduce_sum3A_571 = arith.constant dense<0.000000e+00> : vector<256xf32>
    %reduce_sum3A_572 = vector.multi_reduction <add>, %mul3A_570, %reduce_sum3A_571 [1] : vector<256x4096xf32> to vector<256xf32>
    %broadcast_in_dim3A_573 = vector.shape_cast %reduce_sum3A_572 : vector<256xf32> to vector<256x1xf32>
    %swap3A_574 = arith.constant 1792 : index
    %swap3A_575 = arith.constant 0 : index
    %swap3A_576 = vector.load %arg4[%swap3A_574, %swap3A_575] : memref<2048x1xf32, #tpu.memory_space<vmem>>, vector<256x1xf32>
    tpu.vector_store %arg4[%swap3A_574, %swap3A_575], %broadcast_in_dim3A_573 {strides = array<i32>} : memref<2048x1xf32, #tpu.memory_space<vmem>>, vector<256x1xf32>,
    return
  }
}

module attributes {stable_mosaic.version = 14 : i64} {
  func.func @_expand_krn(%arg0: i32, %arg1: memref<256x128xbf16, #tpu.memory_space<vmem>>, %arg2: memref<256x1024xf32, #tpu.memory_space<vmem>>, %arg3: memref<128x1024xbf16, #tpu.memory_space<vmem>>, %arg4: memref<1024x4096xbf16, #tpu.memory_space<vmem>>, %arg5: memref<1x4096xf32, #tpu.memory_space<vmem>>, %arg6: memref<4096x128xbf16, #tpu.memory_space<vmem>>, %arg7: memref<1024x1024xbf16, #tpu.memory_space<vmem>>, %arg8: memref<128x1024xbf16, #tpu.memory_space<vmem>>, %arg9: memref<1x512xbf16, #tpu.memory_space<vmem>>, %arg10: memref<1024x1xbf16, #tpu.memory_space<vmem>>, %arg11: memref<1536x1xbf16, #tpu.memory_space<vmem>>, %arg12: memref<1x1xf32, #tpu.memory_space<vmem>>, %arg13: memref<256x1024xf32, #tpu.memory_space<vmem>>, %arg14: memref<256x1xf32, #tpu.memory_space<vmem>>) attributes {dimension_semantics = [#tpu.dimension_semantics<arbitrary>], iteration_bounds = array<i64: 8>, scalar_prefetch = 0 : i64, scratch_operands = 0 : i64, tpu.core_type = #tpu.core_type<tc>, window_params = [{transform_indices = @transform_0, window_bounds = array<i64: 256, 128>}, {pipeline_mode = #tpu.pipeline_mode<synchronous>, transform_indices = @transform_1, window_bounds = array<i64: 256, 1024>}, {pipeline_mode = #tpu.pipeline_mode<synchronous>, transform_indices = @transform_2, window_bounds = array<i64: 128, 1024>}, {pipeline_mode = #tpu.pipeline_mode<synchronous>, transform_indices = @transform_3, window_bounds = array<i64: 1024, 4096>}, {pipeline_mode = #tpu.pipeline_mode<synchronous>, transform_indices = @transform_4, window_bounds = array<i64: 1, 4096>}, {pipeline_mode = #tpu.pipeline_mode<synchronous>, transform_indices = @transform_5, window_bounds = array<i64: 4096, 128>}, {pipeline_mode = #tpu.pipeline_mode<synchronous>, transform_indices = @transform_6, window_bounds = array<i64: 1024, 1024>}, {pipeline_mode = #tpu.pipeline_mode<synchronous>, transform_indices = @transform_7, window_bounds = array<i64: 128, 1024>}, {pipeline_mode = #tpu.pipeline_mode<synchronous>, transform_indices = @transform_8, window_bounds = array<i64: 1, 512>}, {pipeline_mode = #tpu.pipeline_mode<synchronous>, transform_indices = @transform_9, window_bounds = array<i64: 1024, 1>}, {pipeline_mode = #tpu.pipeline_mode<synchronous>, transform_indices = @transform_10, window_bounds = array<i64: 1536, 1>}, {pipeline_mode = #tpu.pipeline_mode<synchronous>, transform_indices = @transform_11, window_bounds = array<i64: 1, 1>}, {transform_indices = @transform_12, window_bounds = array<i64: 256, 1024>}, {transform_indices = @transform_13, window_bounds = array<i64: 256, 1>}]} {
    %get3A = arith.constant 0 : index
    %get3A_0 = arith.constant 0 : index
    %get3A_1 = vector.load %arg2[%get3A, %get3A_0] : memref<256x1024xf32, #tpu.memory_space<vmem>>, vector<256x1024xf32>
    %get3A_2 = arith.constant 0 : index
    %get3A_3 = arith.constant 0 : index
    %get3A_4 = vector.load %arg1[%get3A_2, %get3A_3] : memref<256x128xbf16, #tpu.memory_space<vmem>>, vector<256x128xbf16>
    %get3A_5 = arith.constant 0 : index
    %get3A_6 = arith.constant 0 : index
    %get3A_7 = vector.load %arg3[%get3A_5, %get3A_6] : memref<128x1024xbf16, #tpu.memory_space<vmem>>, vector<128x1024xbf16>
    %dot_general3A = arith.constant dense<0.000000e+00> : vector<256x1024xf32>
    %dot_general3A_8 = tpu.matmul %get3A_4, %get3A_7, %dot_general3A {dimension_numbers = #tpu.dot_dimension_numbers<[1], [0], [0], [1], [0, 0, 1, 1], [], []>, transpose_lhs_hint = false} : vector<256x128xbf16>, vector<128x1024xbf16>, vector<256x1024xf32> -> vector<256x1024xf32>
    %add3A = arith.addf %get3A_1, %dot_general3A_8 : vector<256x1024xf32>
    %tanh3A = math.tanh %add3A : vector<256x1024xf32>
    %get3A_9 = arith.constant 0 : index
    %get3A_10 = arith.constant 0 : index
    %get3A_11 = vector.load %arg4[%get3A_9, %get3A_10] : memref<1024x4096xbf16, #tpu.memory_space<vmem>>, vector<1024x4096xbf16>
    %convert_element_type3A = arith.truncf %tanh3A : vector<256x1024xf32> to vector<256x1024xbf16>
    %dot_general3A_12 = arith.constant dense<0.000000e+00> : vector<256x4096xf32>
    %dot_general3A_13 = tpu.matmul %convert_element_type3A, %get3A_11, %dot_general3A_12 {dimension_numbers = #tpu.dot_dimension_numbers<[1], [0], [0], [1], [0, 0, 1, 1], [], []>, transpose_lhs_hint = false} : vector<256x1024xbf16>, vector<1024x4096xbf16>, vector<256x4096xf32> -> vector<256x4096xf32>
    %get3A_14 = arith.constant 0 : index
    %get3A_15 = arith.constant 0 : index
    %get3A_16 = vector.load %arg5[%get3A_14, %get3A_15] : memref<1x4096xf32, #tpu.memory_space<vmem>>, vector<1x4096xf32>
    %add3A_17 = vector.broadcast %get3A_16 : vector<1x4096xf32> to vector<256x4096xf32>
    %add3A_18 = arith.addf %dot_general3A_13, %add3A_17 : vector<256x4096xf32>
    %reduce_max3A = arith.constant dense<0xFF800000> : vector<256xf32>
    %reduce_max3A_19 = vector.multi_reduction <maximumf>, %add3A_18, %reduce_max3A [1] : vector<256x4096xf32> to vector<256xf32>
    %broadcast_in_dim3A = vector.shape_cast %reduce_max3A_19 : vector<256xf32> to vector<256x1xf32>
    %iota3A = tpu.iota {dimensions = array<i32: 1>} : vector<256x4096xi32>
    %eq3A = vector.broadcast %broadcast_in_dim3A : vector<256x1xf32> to vector<256x4096xf32>
    %eq3A_20 = arith.cmpf oeq, %add3A_18, %eq3A : vector<256x4096xf32>
    %jit3A = arith.constant 4096 : i32
    %broadcast_in_dim3A_21 = vector.broadcast %jit3A : i32 to vector<256x4096xi32>
    %select_n3A = arith.select %eq3A_20, %iota3A, %broadcast_in_dim3A_21 : vector<256x4096xi1>, vector<256x4096xi32>
    %reduce_min3A = arith.constant dense<2147483647> : vector<256xi32>
    %reduce_min3A_22 = vector.multi_reduction <minsi>, %select_n3A, %reduce_min3A [1] : vector<256x4096xi32> to vector<256xi32>
    %broadcast_in_dim3A_23 = vector.shape_cast %reduce_min3A_22 : vector<256xi32> to vector<256x1xi32>
    %eq3A_24 = vector.broadcast %broadcast_in_dim3A_23 : vector<256x1xi32> to vector<256x4096xi32>
    %eq3A_25 = arith.cmpi eq, %iota3A, %eq3A_24 : vector<256x4096xi32>
    %convert_element_type3A_26 = arith.extui %eq3A_25 : vector<256x4096xi1> to vector<256x4096xi32>
    %convert_element_type3A_27 = arith.sitofp %convert_element_type3A_26 : vector<256x4096xi32> to vector<256x4096xf32>
    %get3A_28 = arith.constant 0 : index
    %get3A_29 = arith.constant 0 : index
    %get3A_30 = vector.load %arg6[%get3A_28, %get3A_29] : memref<4096x128xbf16, #tpu.memory_space<vmem>>, vector<4096x128xbf16>
    %convert_element_type3A_31 = arith.truncf %convert_element_type3A_27 : vector<256x4096xf32> to vector<256x4096xbf16>
    %dot_general3A_32 = arith.constant dense<0.000000e+00> : vector<256x128xf32>
    %dot_general3A_33 = tpu.matmul %convert_element_type3A_31, %get3A_30, %dot_general3A_32 {dimension_numbers = #tpu.dot_dimension_numbers<[1], [0], [0], [1], [0, 0, 1, 1], [], []>, transpose_lhs_hint = false} : vector<256x4096xbf16>, vector<4096x128xbf16>, vector<256x128xf32> -> vector<256x128xf32>
    %get3A_34 = arith.constant 0 : index
    %get3A_35 = arith.constant 0 : index
    %get3A_36 = vector.load %arg7[%get3A_34, %get3A_35] : memref<1024x1024xbf16, #tpu.memory_space<vmem>>, vector<1024x1024xbf16>
    %convert_element_type3A_37 = arith.truncf %tanh3A : vector<256x1024xf32> to vector<256x1024xbf16>
    %dot_general3A_38 = arith.constant dense<0.000000e+00> : vector<256x1024xf32>
    %dot_general3A_39 = tpu.matmul %convert_element_type3A_37, %get3A_36, %dot_general3A_38 {dimension_numbers = #tpu.dot_dimension_numbers<[1], [0], [0], [1], [0, 0, 1, 1], [], []>, transpose_lhs_hint = false} : vector<256x1024xbf16>, vector<1024x1024xbf16>, vector<256x1024xf32> -> vector<256x1024xf32>
    %get3A_40 = arith.constant 0 : index
    %get3A_41 = arith.constant 0 : index
    %get3A_42 = vector.load %arg8[%get3A_40, %get3A_41] : memref<128x1024xbf16, #tpu.memory_space<vmem>>, vector<128x1024xbf16>
    %convert_element_type3A_43 = arith.truncf %dot_general3A_33 : vector<256x128xf32> to vector<256x128xbf16>
    %dot_general3A_44 = arith.constant dense<0.000000e+00> : vector<256x1024xf32>
    %dot_general3A_45 = tpu.matmul %convert_element_type3A_43, %get3A_42, %dot_general3A_44 {dimension_numbers = #tpu.dot_dimension_numbers<[1], [0], [0], [1], [0, 0, 1, 1], [], []>, transpose_lhs_hint = false} : vector<256x128xbf16>, vector<128x1024xbf16>, vector<256x1024xf32> -> vector<256x1024xf32>
    %add3A_46 = arith.addf %dot_general3A_39, %dot_general3A_45 : vector<256x1024xf32>
    %tanh3A_47 = math.tanh %add3A_46 : vector<256x1024xf32>
    %swap3A = arith.constant 0 : index
    %swap3A_48 = arith.constant 0 : index
    %swap3A_49 = vector.load %arg13[%swap3A, %swap3A_48] : memref<256x1024xf32, #tpu.memory_space<vmem>>, vector<256x1024xf32>
    tpu.vector_store %arg13[%swap3A, %swap3A_48], %tanh3A_47 {strides = array<i32>} : memref<256x1024xf32, #tpu.memory_space<vmem>>, vector<256x1024xf32>,
    %get3A_50 = arith.constant 0 : index
    %get3A_51 = arith.constant 0 : index
    %get3A_52 = vector.load %arg13[%get3A_50, %get3A_51] : memref<256x1024xf32, #tpu.memory_space<vmem>>, vector<256x1024xf32>
    %get3A_53 = arith.constant 0 : index
    %get3A_54 = arith.constant 0 : index
    %get3A_55 = vector.load %arg10[%get3A_53, %get3A_54] : memref<1024x1xbf16, #tpu.memory_space<vmem>>, vector<1024x1xbf16>
    %convert_element_type3A_56 = arith.truncf %get3A_52 : vector<256x1024xf32> to vector<256x1024xbf16>
    %dot_general3A_57 = arith.constant dense<0.000000e+00> : vector<256x1xf32>
    %dot_general3A_58 = tpu.matmul %convert_element_type3A_56, %get3A_55, %dot_general3A_57 {dimension_numbers = #tpu.dot_dimension_numbers<[1], [0], [0], [1], [0, 0, 1, 1], [], []>, transpose_lhs_hint = false} : vector<256x1024xbf16>, vector<1024x1xbf16>, vector<256x1xf32> -> vector<256x1xf32>
    %get3A_59 = arith.constant 0 : index
    %get3A_60 = arith.constant 0 : index
    %get3A_61 = vector.load %arg9[%get3A_59, %get3A_60] : memref<1x512xbf16, #tpu.memory_space<vmem>>, vector<1x512xbf16>
    %broadcast_in_dim3A_62 = vector.shape_cast %get3A_61 : vector<1x512xbf16> to vector<1x512xbf16>
    %broadcast_in_dim3A_63 = vector.broadcast %broadcast_in_dim3A_62 : vector<1x512xbf16> to vector<256x512xbf16>
    %convert_element_type3A_64 = arith.extf %broadcast_in_dim3A_63 : vector<256x512xbf16> to vector<256x512xf32>
    %concatenate3A = tpu.concatenate %get3A_52, %convert_element_type3A_64 in 1 : vector<256x1024xf32>, vector<256x512xf32> -> vector<256x1536xf32>
    %get3A_65 = arith.constant 0 : index
    %get3A_66 = arith.constant 0 : index
    %get3A_67 = vector.load %arg11[%get3A_65, %get3A_66] : memref<1536x1xbf16, #tpu.memory_space<vmem>>, vector<1536x1xbf16>
    %convert_element_type3A_68 = arith.truncf %concatenate3A : vector<256x1536xf32> to vector<256x1536xbf16>
    %dot_general3A_69 = arith.constant dense<0.000000e+00> : vector<256x1xf32>
    %dot_general3A_70 = tpu.matmul %convert_element_type3A_68, %get3A_67, %dot_general3A_69 {dimension_numbers = #tpu.dot_dimension_numbers<[1], [0], [0], [1], [0, 0, 1, 1], [], []>, transpose_lhs_hint = false} : vector<256x1536xbf16>, vector<1536x1xbf16>, vector<256x1xf32> -> vector<256x1xf32>
    %get3A_71 = arith.constant 0 : index
    %get3A_72 = arith.constant 0 : index
    %get3A_73 = vector.load %arg12[%get3A_71, %get3A_72] : memref<1x1xf32, #tpu.memory_space<vmem>>, vector<1x1xf32>
    %sub3A = vector.broadcast %get3A_73 : vector<1x1xf32> to vector<256x1xf32>
    %sub3A_74 = arith.subf %dot_general3A_58, %sub3A : vector<256x1xf32>
    %mul3A = arith.constant 7.000000e+00 : f32
    %mul3A_75 = vector.broadcast %mul3A : f32 to vector<256x1xf32>
    %mul3A_76 = arith.mulf %dot_general3A_70, %mul3A_75 : vector<256x1xf32>
    %add3A_77 = arith.addf %sub3A_74, %mul3A_76 : vector<256x1xf32>
    %swap3A_78 = arith.constant 0 : index
    %swap3A_79 = arith.constant 0 : index
    %swap3A_80 = vector.load %arg14[%swap3A_78, %swap3A_79] : memref<256x1xf32, #tpu.memory_space<vmem>>, vector<256x1xf32>
    tpu.vector_store %arg14[%swap3A_78, %swap3A_79], %add3A_77 {strides = array<i32>} : memref<256x1xf32, #tpu.memory_space<vmem>>, vector<256x1xf32>,
    return
  }
  func.func @transform_0(%arg0: i32) -> (i32, i32) {
    %c0_i32 = arith.constant 0 : i32
    %c0_i32_0 = arith.constant 0 : i32
    return %arg0, %c0_i32 : i32, i32
  }
  func.func @transform_1(%arg0: i32) -> (i32, i32) {
    %c0_i32 = arith.constant 0 : i32
    %c0_i32_0 = arith.constant 0 : i32
    %c0_i32_1 = arith.constant 0 : i32
    return %c0_i32, %c0_i32_0 : i32, i32
  }
  func.func @transform_2(%arg0: i32) -> (i32, i32) {
    %c0_i32 = arith.constant 0 : i32
    %c0_i32_0 = arith.constant 0 : i32
    %c0_i32_1 = arith.constant 0 : i32
    return %c0_i32, %c0_i32_0 : i32, i32
  }
  func.func @transform_3(%arg0: i32) -> (i32, i32) {
    %c0_i32 = arith.constant 0 : i32
    %c0_i32_0 = arith.constant 0 : i32
    %c0_i32_1 = arith.constant 0 : i32
    return %c0_i32, %c0_i32_0 : i32, i32
  }
  func.func @transform_4(%arg0: i32) -> (i32, i32) {
    %c0_i32 = arith.constant 0 : i32
    %c0_i32_0 = arith.constant 0 : i32
    %c0_i32_1 = arith.constant 0 : i32
    return %c0_i32, %c0_i32_0 : i32, i32
  }
  func.func @transform_5(%arg0: i32) -> (i32, i32) {
    %c0_i32 = arith.constant 0 : i32
    %c0_i32_0 = arith.constant 0 : i32
    %c0_i32_1 = arith.constant 0 : i32
    return %c0_i32, %c0_i32_0 : i32, i32
  }
  func.func @transform_6(%arg0: i32) -> (i32, i32) {
    %c0_i32 = arith.constant 0 : i32
    %c0_i32_0 = arith.constant 0 : i32
    %c0_i32_1 = arith.constant 0 : i32
    return %c0_i32, %c0_i32_0 : i32, i32
  }
  func.func @transform_7(%arg0: i32) -> (i32, i32) {
    %c0_i32 = arith.constant 0 : i32
    %c0_i32_0 = arith.constant 0 : i32
    %c0_i32_1 = arith.constant 0 : i32
    return %c0_i32, %c0_i32_0 : i32, i32
  }
  func.func @transform_8(%arg0: i32) -> (i32, i32) {
    %c0_i32 = arith.constant 0 : i32
    %c0_i32_0 = arith.constant 0 : i32
    %c0_i32_1 = arith.constant 0 : i32
    return %c0_i32, %c0_i32_0 : i32, i32
  }
  func.func @transform_9(%arg0: i32) -> (i32, i32) {
    %c0_i32 = arith.constant 0 : i32
    %c0_i32_0 = arith.constant 0 : i32
    %c0_i32_1 = arith.constant 0 : i32
    return %c0_i32, %c0_i32_0 : i32, i32
  }
  func.func @transform_10(%arg0: i32) -> (i32, i32) {
    %c0_i32 = arith.constant 0 : i32
    %c0_i32_0 = arith.constant 0 : i32
    %c0_i32_1 = arith.constant 0 : i32
    return %c0_i32, %c0_i32_0 : i32, i32
  }
  func.func @transform_11(%arg0: i32) -> (i32, i32) {
    %c0_i32 = arith.constant 0 : i32
    %c0_i32_0 = arith.constant 0 : i32
    %c0_i32_1 = arith.constant 0 : i32
    return %c0_i32, %c0_i32_0 : i32, i32
  }
  func.func @transform_12(%arg0: i32) -> (i32, i32) {
    %c0_i32 = arith.constant 0 : i32
    %c0_i32_0 = arith.constant 0 : i32
    return %arg0, %c0_i32 : i32, i32
  }
  func.func @transform_13(%arg0: i32) -> (i32, i32) {
    %c0_i32 = arith.constant 0 : i32
    %c0_i32_0 = arith.constant 0 : i32
    return %arg0, %c0_i32 : i32, i32
  }
}

module attributes {stable_mosaic.version = 14 : i64} {
  func.func @_select_krn(%arg0: memref<1x2048xf32, #tpu.memory_space<vmem>>, %arg1: memref<2048x1xf32, #tpu.memory_space<vmem>>, %arg2: memref<256x1xf32, #tpu.memory_space<vmem>>) attributes {dimension_semantics = [], scalar_prefetch = 0 : i64, scratch_operands = 0 : i64, tpu.core_type = #tpu.core_type<tc>} {
    %get3A = arith.constant 0 : index
    %get3A_0 = arith.constant 0 : index
    %get3A_1 = vector.load %arg0[%get3A, %get3A_0] : memref<1x2048xf32, #tpu.memory_space<vmem>>, vector<1x2048xf32>
    %iota3A = tpu.iota {dimensions = array<i32: 1>} : vector<1x2048xi32>
    %broadcast_in_dim3A = arith.constant 0 : i32
    %broadcast_in_dim3A_2 = vector.broadcast %broadcast_in_dim3A : i32 to vector<1x2048xi32>
    %get3A_3 = arith.constant 0 : index
    %get3A_4 = arith.constant 0 : index
    %get3A_5 = vector.load %arg1[%get3A_3, %get3A_4] : memref<2048x1xf32, #tpu.memory_space<vmem>>, vector<256x1xf32>
    %iota3A_6 = tpu.iota {dimensions = array<i32: 0>} : vector<256x1xi32>
    %add3A = arith.constant 0 : i32
    %add3A_7 = vector.broadcast %add3A : i32 to vector<256x1xi32>
    %add3A_8 = arith.addi %iota3A_6, %add3A_7 : vector<256x1xi32>
    %gt3A = vector.broadcast %get3A_5 : vector<256x1xf32> to vector<256x2048xf32>
    %gt3A_9 = vector.broadcast %get3A_1 : vector<1x2048xf32> to vector<256x2048xf32>
    %gt3A_10 = arith.cmpf ogt, %gt3A, %gt3A_9 : vector<256x2048xf32>
    %eq3A = vector.broadcast %get3A_5 : vector<256x1xf32> to vector<256x2048xf32>
    %eq3A_11 = vector.broadcast %get3A_1 : vector<1x2048xf32> to vector<256x2048xf32>
    %eq3A_12 = arith.cmpf oeq, %eq3A, %eq3A_11 : vector<256x2048xf32>
    %lt3A = vector.broadcast %add3A_8 : vector<256x1xi32> to vector<256x2048xi32>
    %lt3A_13 = vector.broadcast %iota3A : vector<1x2048xi32> to vector<256x2048xi32>
    %lt3A_14 = arith.cmpi slt, %lt3A, %lt3A_13 : vector<256x2048xi32>
    %and3A = arith.andi %eq3A_12, %lt3A_14 : vector<256x2048xi1>
    %or3A = arith.ori %gt3A_10, %and3A : vector<256x2048xi1>
    %convert_element_type3A = arith.extui %or3A : vector<256x2048xi1> to vector<256x2048xi32>
    %reduce_sum3A = arith.constant dense<0> : vector<2048xi32>
    %reduce_sum3A_15 = vector.multi_reduction <add>, %convert_element_type3A, %reduce_sum3A [0] : vector<256x2048xi32> to vector<2048xi32>
    %broadcast_in_dim3A_16 = vector.shape_cast %reduce_sum3A_15 : vector<2048xi32> to vector<1x2048xi32>
    %add3A_17 = arith.addi %broadcast_in_dim3A_2, %broadcast_in_dim3A_16 : vector<1x2048xi32>
    %get3A_18 = arith.constant 256 : index
    %get3A_19 = arith.constant 0 : index
    %get3A_20 = vector.load %arg1[%get3A_18, %get3A_19] : memref<2048x1xf32, #tpu.memory_space<vmem>>, vector<256x1xf32>
    %iota3A_21 = tpu.iota {dimensions = array<i32: 0>} : vector<256x1xi32>
    %add3A_22 = arith.constant 256 : i32
    %add3A_23 = vector.broadcast %add3A_22 : i32 to vector<256x1xi32>
    %add3A_24 = arith.addi %iota3A_21, %add3A_23 : vector<256x1xi32>
    %gt3A_25 = vector.broadcast %get3A_20 : vector<256x1xf32> to vector<256x2048xf32>
    %gt3A_26 = vector.broadcast %get3A_1 : vector<1x2048xf32> to vector<256x2048xf32>
    %gt3A_27 = arith.cmpf ogt, %gt3A_25, %gt3A_26 : vector<256x2048xf32>
    %eq3A_28 = vector.broadcast %get3A_20 : vector<256x1xf32> to vector<256x2048xf32>
    %eq3A_29 = vector.broadcast %get3A_1 : vector<1x2048xf32> to vector<256x2048xf32>
    %eq3A_30 = arith.cmpf oeq, %eq3A_28, %eq3A_29 : vector<256x2048xf32>
    %lt3A_31 = vector.broadcast %add3A_24 : vector<256x1xi32> to vector<256x2048xi32>
    %lt3A_32 = vector.broadcast %iota3A : vector<1x2048xi32> to vector<256x2048xi32>
    %lt3A_33 = arith.cmpi slt, %lt3A_31, %lt3A_32 : vector<256x2048xi32>
    %and3A_34 = arith.andi %eq3A_30, %lt3A_33 : vector<256x2048xi1>
    %or3A_35 = arith.ori %gt3A_27, %and3A_34 : vector<256x2048xi1>
    %convert_element_type3A_36 = arith.extui %or3A_35 : vector<256x2048xi1> to vector<256x2048xi32>
    %reduce_sum3A_37 = arith.constant dense<0> : vector<2048xi32>
    %reduce_sum3A_38 = vector.multi_reduction <add>, %convert_element_type3A_36, %reduce_sum3A_37 [0] : vector<256x2048xi32> to vector<2048xi32>
    %broadcast_in_dim3A_39 = vector.shape_cast %reduce_sum3A_38 : vector<2048xi32> to vector<1x2048xi32>
    %add3A_40 = arith.addi %add3A_17, %broadcast_in_dim3A_39 : vector<1x2048xi32>
    %get3A_41 = arith.constant 512 : index
    %get3A_42 = arith.constant 0 : index
    %get3A_43 = vector.load %arg1[%get3A_41, %get3A_42] : memref<2048x1xf32, #tpu.memory_space<vmem>>, vector<256x1xf32>
    %iota3A_44 = tpu.iota {dimensions = array<i32: 0>} : vector<256x1xi32>
    %add3A_45 = arith.constant 512 : i32
    %add3A_46 = vector.broadcast %add3A_45 : i32 to vector<256x1xi32>
    %add3A_47 = arith.addi %iota3A_44, %add3A_46 : vector<256x1xi32>
    %gt3A_48 = vector.broadcast %get3A_43 : vector<256x1xf32> to vector<256x2048xf32>
    %gt3A_49 = vector.broadcast %get3A_1 : vector<1x2048xf32> to vector<256x2048xf32>
    %gt3A_50 = arith.cmpf ogt, %gt3A_48, %gt3A_49 : vector<256x2048xf32>
    %eq3A_51 = vector.broadcast %get3A_43 : vector<256x1xf32> to vector<256x2048xf32>
    %eq3A_52 = vector.broadcast %get3A_1 : vector<1x2048xf32> to vector<256x2048xf32>
    %eq3A_53 = arith.cmpf oeq, %eq3A_51, %eq3A_52 : vector<256x2048xf32>
    %lt3A_54 = vector.broadcast %add3A_47 : vector<256x1xi32> to vector<256x2048xi32>
    %lt3A_55 = vector.broadcast %iota3A : vector<1x2048xi32> to vector<256x2048xi32>
    %lt3A_56 = arith.cmpi slt, %lt3A_54, %lt3A_55 : vector<256x2048xi32>
    %and3A_57 = arith.andi %eq3A_53, %lt3A_56 : vector<256x2048xi1>
    %or3A_58 = arith.ori %gt3A_50, %and3A_57 : vector<256x2048xi1>
    %convert_element_type3A_59 = arith.extui %or3A_58 : vector<256x2048xi1> to vector<256x2048xi32>
    %reduce_sum3A_60 = arith.constant dense<0> : vector<2048xi32>
    %reduce_sum3A_61 = vector.multi_reduction <add>, %convert_element_type3A_59, %reduce_sum3A_60 [0] : vector<256x2048xi32> to vector<2048xi32>
    %broadcast_in_dim3A_62 = vector.shape_cast %reduce_sum3A_61 : vector<2048xi32> to vector<1x2048xi32>
    %add3A_63 = arith.addi %add3A_40, %broadcast_in_dim3A_62 : vector<1x2048xi32>
    %get3A_64 = arith.constant 768 : index
    %get3A_65 = arith.constant 0 : index
    %get3A_66 = vector.load %arg1[%get3A_64, %get3A_65] : memref<2048x1xf32, #tpu.memory_space<vmem>>, vector<256x1xf32>
    %iota3A_67 = tpu.iota {dimensions = array<i32: 0>} : vector<256x1xi32>
    %add3A_68 = arith.constant 768 : i32
    %add3A_69 = vector.broadcast %add3A_68 : i32 to vector<256x1xi32>
    %add3A_70 = arith.addi %iota3A_67, %add3A_69 : vector<256x1xi32>
    %gt3A_71 = vector.broadcast %get3A_66 : vector<256x1xf32> to vector<256x2048xf32>
    %gt3A_72 = vector.broadcast %get3A_1 : vector<1x2048xf32> to vector<256x2048xf32>
    %gt3A_73 = arith.cmpf ogt, %gt3A_71, %gt3A_72 : vector<256x2048xf32>
    %eq3A_74 = vector.broadcast %get3A_66 : vector<256x1xf32> to vector<256x2048xf32>
    %eq3A_75 = vector.broadcast %get3A_1 : vector<1x2048xf32> to vector<256x2048xf32>
    %eq3A_76 = arith.cmpf oeq, %eq3A_74, %eq3A_75 : vector<256x2048xf32>
    %lt3A_77 = vector.broadcast %add3A_70 : vector<256x1xi32> to vector<256x2048xi32>
    %lt3A_78 = vector.broadcast %iota3A : vector<1x2048xi32> to vector<256x2048xi32>
    %lt3A_79 = arith.cmpi slt, %lt3A_77, %lt3A_78 : vector<256x2048xi32>
    %and3A_80 = arith.andi %eq3A_76, %lt3A_79 : vector<256x2048xi1>
    %or3A_81 = arith.ori %gt3A_73, %and3A_80 : vector<256x2048xi1>
    %convert_element_type3A_82 = arith.extui %or3A_81 : vector<256x2048xi1> to vector<256x2048xi32>
    %reduce_sum3A_83 = arith.constant dense<0> : vector<2048xi32>
    %reduce_sum3A_84 = vector.multi_reduction <add>, %convert_element_type3A_82, %reduce_sum3A_83 [0] : vector<256x2048xi32> to vector<2048xi32>
    %broadcast_in_dim3A_85 = vector.shape_cast %reduce_sum3A_84 : vector<2048xi32> to vector<1x2048xi32>
    %add3A_86 = arith.addi %add3A_63, %broadcast_in_dim3A_85 : vector<1x2048xi32>
    %get3A_87 = arith.constant 1024 : index
    %get3A_88 = arith.constant 0 : index
    %get3A_89 = vector.load %arg1[%get3A_87, %get3A_88] : memref<2048x1xf32, #tpu.memory_space<vmem>>, vector<256x1xf32>
    %iota3A_90 = tpu.iota {dimensions = array<i32: 0>} : vector<256x1xi32>
    %add3A_91 = arith.constant 1024 : i32
    %add3A_92 = vector.broadcast %add3A_91 : i32 to vector<256x1xi32>
    %add3A_93 = arith.addi %iota3A_90, %add3A_92 : vector<256x1xi32>
    %gt3A_94 = vector.broadcast %get3A_89 : vector<256x1xf32> to vector<256x2048xf32>
    %gt3A_95 = vector.broadcast %get3A_1 : vector<1x2048xf32> to vector<256x2048xf32>
    %gt3A_96 = arith.cmpf ogt, %gt3A_94, %gt3A_95 : vector<256x2048xf32>
    %eq3A_97 = vector.broadcast %get3A_89 : vector<256x1xf32> to vector<256x2048xf32>
    %eq3A_98 = vector.broadcast %get3A_1 : vector<1x2048xf32> to vector<256x2048xf32>
    %eq3A_99 = arith.cmpf oeq, %eq3A_97, %eq3A_98 : vector<256x2048xf32>
    %lt3A_100 = vector.broadcast %add3A_93 : vector<256x1xi32> to vector<256x2048xi32>
    %lt3A_101 = vector.broadcast %iota3A : vector<1x2048xi32> to vector<256x2048xi32>
    %lt3A_102 = arith.cmpi slt, %lt3A_100, %lt3A_101 : vector<256x2048xi32>
    %and3A_103 = arith.andi %eq3A_99, %lt3A_102 : vector<256x2048xi1>
    %or3A_104 = arith.ori %gt3A_96, %and3A_103 : vector<256x2048xi1>
    %convert_element_type3A_105 = arith.extui %or3A_104 : vector<256x2048xi1> to vector<256x2048xi32>
    %reduce_sum3A_106 = arith.constant dense<0> : vector<2048xi32>
    %reduce_sum3A_107 = vector.multi_reduction <add>, %convert_element_type3A_105, %reduce_sum3A_106 [0] : vector<256x2048xi32> to vector<2048xi32>
    %broadcast_in_dim3A_108 = vector.shape_cast %reduce_sum3A_107 : vector<2048xi32> to vector<1x2048xi32>
    %add3A_109 = arith.addi %add3A_86, %broadcast_in_dim3A_108 : vector<1x2048xi32>
    %get3A_110 = arith.constant 1280 : index
    %get3A_111 = arith.constant 0 : index
    %get3A_112 = vector.load %arg1[%get3A_110, %get3A_111] : memref<2048x1xf32, #tpu.memory_space<vmem>>, vector<256x1xf32>
    %iota3A_113 = tpu.iota {dimensions = array<i32: 0>} : vector<256x1xi32>
    %add3A_114 = arith.constant 1280 : i32
    %add3A_115 = vector.broadcast %add3A_114 : i32 to vector<256x1xi32>
    %add3A_116 = arith.addi %iota3A_113, %add3A_115 : vector<256x1xi32>
    %gt3A_117 = vector.broadcast %get3A_112 : vector<256x1xf32> to vector<256x2048xf32>
    %gt3A_118 = vector.broadcast %get3A_1 : vector<1x2048xf32> to vector<256x2048xf32>
    %gt3A_119 = arith.cmpf ogt, %gt3A_117, %gt3A_118 : vector<256x2048xf32>
    %eq3A_120 = vector.broadcast %get3A_112 : vector<256x1xf32> to vector<256x2048xf32>
    %eq3A_121 = vector.broadcast %get3A_1 : vector<1x2048xf32> to vector<256x2048xf32>
    %eq3A_122 = arith.cmpf oeq, %eq3A_120, %eq3A_121 : vector<256x2048xf32>
    %lt3A_123 = vector.broadcast %add3A_116 : vector<256x1xi32> to vector<256x2048xi32>
    %lt3A_124 = vector.broadcast %iota3A : vector<1x2048xi32> to vector<256x2048xi32>
    %lt3A_125 = arith.cmpi slt, %lt3A_123, %lt3A_124 : vector<256x2048xi32>
    %and3A_126 = arith.andi %eq3A_122, %lt3A_125 : vector<256x2048xi1>
    %or3A_127 = arith.ori %gt3A_119, %and3A_126 : vector<256x2048xi1>
    %convert_element_type3A_128 = arith.extui %or3A_127 : vector<256x2048xi1> to vector<256x2048xi32>
    %reduce_sum3A_129 = arith.constant dense<0> : vector<2048xi32>
    %reduce_sum3A_130 = vector.multi_reduction <add>, %convert_element_type3A_128, %reduce_sum3A_129 [0] : vector<256x2048xi32> to vector<2048xi32>
    %broadcast_in_dim3A_131 = vector.shape_cast %reduce_sum3A_130 : vector<2048xi32> to vector<1x2048xi32>
    %add3A_132 = arith.addi %add3A_109, %broadcast_in_dim3A_131 : vector<1x2048xi32>
    %get3A_133 = arith.constant 1536 : index
    %get3A_134 = arith.constant 0 : index
    %get3A_135 = vector.load %arg1[%get3A_133, %get3A_134] : memref<2048x1xf32, #tpu.memory_space<vmem>>, vector<256x1xf32>
    %iota3A_136 = tpu.iota {dimensions = array<i32: 0>} : vector<256x1xi32>
    %add3A_137 = arith.constant 1536 : i32
    %add3A_138 = vector.broadcast %add3A_137 : i32 to vector<256x1xi32>
    %add3A_139 = arith.addi %iota3A_136, %add3A_138 : vector<256x1xi32>
    %gt3A_140 = vector.broadcast %get3A_135 : vector<256x1xf32> to vector<256x2048xf32>
    %gt3A_141 = vector.broadcast %get3A_1 : vector<1x2048xf32> to vector<256x2048xf32>
    %gt3A_142 = arith.cmpf ogt, %gt3A_140, %gt3A_141 : vector<256x2048xf32>
    %eq3A_143 = vector.broadcast %get3A_135 : vector<256x1xf32> to vector<256x2048xf32>
    %eq3A_144 = vector.broadcast %get3A_1 : vector<1x2048xf32> to vector<256x2048xf32>
    %eq3A_145 = arith.cmpf oeq, %eq3A_143, %eq3A_144 : vector<256x2048xf32>
    %lt3A_146 = vector.broadcast %add3A_139 : vector<256x1xi32> to vector<256x2048xi32>
    %lt3A_147 = vector.broadcast %iota3A : vector<1x2048xi32> to vector<256x2048xi32>
    %lt3A_148 = arith.cmpi slt, %lt3A_146, %lt3A_147 : vector<256x2048xi32>
    %and3A_149 = arith.andi %eq3A_145, %lt3A_148 : vector<256x2048xi1>
    %or3A_150 = arith.ori %gt3A_142, %and3A_149 : vector<256x2048xi1>
    %convert_element_type3A_151 = arith.extui %or3A_150 : vector<256x2048xi1> to vector<256x2048xi32>
    %reduce_sum3A_152 = arith.constant dense<0> : vector<2048xi32>
    %reduce_sum3A_153 = vector.multi_reduction <add>, %convert_element_type3A_151, %reduce_sum3A_152 [0] : vector<256x2048xi32> to vector<2048xi32>
    %broadcast_in_dim3A_154 = vector.shape_cast %reduce_sum3A_153 : vector<2048xi32> to vector<1x2048xi32>
    %add3A_155 = arith.addi %add3A_132, %broadcast_in_dim3A_154 : vector<1x2048xi32>
    %get3A_156 = arith.constant 1792 : index
    %get3A_157 = arith.constant 0 : index
    %get3A_158 = vector.load %arg1[%get3A_156, %get3A_157] : memref<2048x1xf32, #tpu.memory_space<vmem>>, vector<256x1xf32>
    %iota3A_159 = tpu.iota {dimensions = array<i32: 0>} : vector<256x1xi32>
    %add3A_160 = arith.constant 1792 : i32
    %add3A_161 = vector.broadcast %add3A_160 : i32 to vector<256x1xi32>
    %add3A_162 = arith.addi %iota3A_159, %add3A_161 : vector<256x1xi32>
    %gt3A_163 = vector.broadcast %get3A_158 : vector<256x1xf32> to vector<256x2048xf32>
    %gt3A_164 = vector.broadcast %get3A_1 : vector<1x2048xf32> to vector<256x2048xf32>
    %gt3A_165 = arith.cmpf ogt, %gt3A_163, %gt3A_164 : vector<256x2048xf32>
    %eq3A_166 = vector.broadcast %get3A_158 : vector<256x1xf32> to vector<256x2048xf32>
    %eq3A_167 = vector.broadcast %get3A_1 : vector<1x2048xf32> to vector<256x2048xf32>
    %eq3A_168 = arith.cmpf oeq, %eq3A_166, %eq3A_167 : vector<256x2048xf32>
    %lt3A_169 = vector.broadcast %add3A_162 : vector<256x1xi32> to vector<256x2048xi32>
    %lt3A_170 = vector.broadcast %iota3A : vector<1x2048xi32> to vector<256x2048xi32>
    %lt3A_171 = arith.cmpi slt, %lt3A_169, %lt3A_170 : vector<256x2048xi32>
    %and3A_172 = arith.andi %eq3A_168, %lt3A_171 : vector<256x2048xi1>
    %or3A_173 = arith.ori %gt3A_165, %and3A_172 : vector<256x2048xi1>
    %convert_element_type3A_174 = arith.extui %or3A_173 : vector<256x2048xi1> to vector<256x2048xi32>
    %reduce_sum3A_175 = arith.constant dense<0> : vector<2048xi32>
    %reduce_sum3A_176 = vector.multi_reduction <add>, %convert_element_type3A_174, %reduce_sum3A_175 [0] : vector<256x2048xi32> to vector<2048xi32>
    %broadcast_in_dim3A_177 = vector.shape_cast %reduce_sum3A_176 : vector<2048xi32> to vector<1x2048xi32>
    %add3A_178 = arith.addi %add3A_155, %broadcast_in_dim3A_177 : vector<1x2048xi32>
    %iota3A_179 = tpu.iota {dimensions = array<i32: 0>} : vector<256x1xi32>
    %eq3A_180 = vector.broadcast %add3A_178 : vector<1x2048xi32> to vector<256x2048xi32>
    %eq3A_181 = vector.broadcast %iota3A_179 : vector<256x1xi32> to vector<256x2048xi32>
    %eq3A_182 = arith.cmpi eq, %eq3A_180, %eq3A_181 : vector<256x2048xi32>
    %convert_element_type3A_183 = arith.extui %eq3A_182 : vector<256x2048xi1> to vector<256x2048xi32>
    %convert_element_type3A_184 = arith.sitofp %convert_element_type3A_183 : vector<256x2048xi32> to vector<256x2048xf32>
    %convert_element_type3A_185 = arith.sitofp %iota3A : vector<1x2048xi32> to vector<1x2048xf32>
    %mul3A = vector.broadcast %convert_element_type3A_185 : vector<1x2048xf32> to vector<256x2048xf32>
    %mul3A_186 = arith.mulf %convert_element_type3A_184, %mul3A : vector<256x2048xf32>
    %reduce_sum3A_187 = arith.constant dense<0.000000e+00> : vector<256xf32>
    %reduce_sum3A_188 = vector.multi_reduction <add>, %mul3A_186, %reduce_sum3A_187 [1] : vector<256x2048xf32> to vector<256xf32>
    %broadcast_in_dim3A_189 = vector.shape_cast %reduce_sum3A_188 : vector<256xf32> to vector<256x1xf32>
    %swap3A = arith.constant 0 : index
    %swap3A_190 = arith.constant 0 : index
    %swap3A_191 = vector.load %arg2[%swap3A, %swap3A_190] : memref<256x1xf32, #tpu.memory_space<vmem>>, vector<256x1xf32>
    tpu.vector_store %arg2[%swap3A, %swap3A_190], %broadcast_in_dim3A_189 {strides = array<i32>} : memref<256x1xf32, #tpu.memory_space<vmem>>, vector<256x1xf32>,
    return
  }
}

module attributes {stable_mosaic.version = 14 : i64} {
  func.func @_head_krn(%arg0: memref<256x1024xf32, #tpu.memory_space<vmem>>, %arg1: memref<1024x4096xbf16, #tpu.memory_space<vmem>>, %arg2: memref<1x4096xf32, #tpu.memory_space<vmem>>, %arg3: memref<4096x128xbf16, #tpu.memory_space<vmem>>, %arg4: memref<1024x1024xbf16, #tpu.memory_space<vmem>>, %arg5: memref<2048x128xbf16, #tpu.memory_space<vmem>>, %arg6: memref<256x1024xf32, #tpu.memory_space<vmem>>) attributes {dimension_semantics = [], scalar_prefetch = 0 : i64, scratch_operands = 0 : i64, tpu.core_type = #tpu.core_type<tc>} {
    %get3A = arith.constant 0 : index
    %get3A_0 = arith.constant 0 : index
    %get3A_1 = vector.load %arg0[%get3A, %get3A_0] : memref<256x1024xf32, #tpu.memory_space<vmem>>, vector<256x1024xf32>
    %get3A_2 = arith.constant 0 : index
    %get3A_3 = arith.constant 0 : index
    %get3A_4 = vector.load %arg1[%get3A_2, %get3A_3] : memref<1024x4096xbf16, #tpu.memory_space<vmem>>, vector<1024x4096xbf16>
    %convert_element_type3A = arith.truncf %get3A_1 : vector<256x1024xf32> to vector<256x1024xbf16>
    %dot_general3A = arith.constant dense<0.000000e+00> : vector<256x4096xf32>
    %dot_general3A_5 = tpu.matmul %convert_element_type3A, %get3A_4, %dot_general3A {dimension_numbers = #tpu.dot_dimension_numbers<[1], [0], [0], [1], [0, 0, 1, 1], [], []>, transpose_lhs_hint = false} : vector<256x1024xbf16>, vector<1024x4096xbf16>, vector<256x4096xf32> -> vector<256x4096xf32>
    %get3A_6 = arith.constant 0 : index
    %get3A_7 = arith.constant 0 : index
    %get3A_8 = vector.load %arg2[%get3A_6, %get3A_7] : memref<1x4096xf32, #tpu.memory_space<vmem>>, vector<1x4096xf32>
    %add3A = vector.broadcast %get3A_8 : vector<1x4096xf32> to vector<256x4096xf32>
    %add3A_9 = arith.addf %dot_general3A_5, %add3A : vector<256x4096xf32>
    %get3A_10 = arith.constant 0 : index
    %get3A_11 = arith.constant 0 : index
    %get3A_12 = vector.load %arg0[%get3A_10, %get3A_11] : memref<256x1024xf32, #tpu.memory_space<vmem>>, vector<256x1024xf32>
    %get3A_13 = arith.constant 0 : index
    %get3A_14 = arith.constant 0 : index
    %get3A_15 = vector.load %arg4[%get3A_13, %get3A_14] : memref<1024x1024xbf16, #tpu.memory_space<vmem>>, vector<1024x1024xbf16>
    %convert_element_type3A_16 = arith.truncf %get3A_12 : vector<256x1024xf32> to vector<256x1024xbf16>
    %dot_general3A_17 = arith.constant dense<0.000000e+00> : vector<256x1024xf32>
    %dot_general3A_18 = tpu.matmul %convert_element_type3A_16, %get3A_15, %dot_general3A_17 {dimension_numbers = #tpu.dot_dimension_numbers<[1], [0], [0], [1], [0, 0, 1, 1], [], []>, transpose_lhs_hint = false} : vector<256x1024xbf16>, vector<1024x1024xbf16>, vector<256x1024xf32> -> vector<256x1024xf32>
    %swap3A = arith.constant 0 : index
    %swap3A_19 = arith.constant 0 : index
    %swap3A_20 = vector.load %arg6[%swap3A, %swap3A_19] : memref<256x1024xf32, #tpu.memory_space<vmem>>, vector<256x1024xf32>
    tpu.vector_store %arg6[%swap3A, %swap3A_19], %dot_general3A_18 {strides = array<i32>} : memref<256x1024xf32, #tpu.memory_space<vmem>>, vector<256x1024xf32>,
    %iota3A = tpu.iota {dimensions = array<i32: 1>} : vector<256x4096xi32>
    %reduce_max3A = arith.constant dense<0xFF800000> : vector<256xf32>
    %reduce_max3A_21 = vector.multi_reduction <maximumf>, %add3A_9, %reduce_max3A [1] : vector<256x4096xf32> to vector<256xf32>
    %broadcast_in_dim3A = vector.shape_cast %reduce_max3A_21 : vector<256xf32> to vector<256x1xf32>
    %eq3A = vector.broadcast %broadcast_in_dim3A : vector<256x1xf32> to vector<256x4096xf32>
    %eq3A_22 = arith.cmpf oeq, %add3A_9, %eq3A : vector<256x4096xf32>
    %jit3A = arith.constant 4096 : i32
    %broadcast_in_dim3A_23 = vector.broadcast %jit3A : i32 to vector<256x4096xi32>
    %select_n3A = arith.select %eq3A_22, %iota3A, %broadcast_in_dim3A_23 : vector<256x4096xi1>, vector<256x4096xi32>
    %reduce_min3A = arith.constant dense<2147483647> : vector<256xi32>
    %reduce_min3A_24 = vector.multi_reduction <minsi>, %select_n3A, %reduce_min3A [1] : vector<256x4096xi32> to vector<256xi32>
    %broadcast_in_dim3A_25 = vector.shape_cast %reduce_min3A_24 : vector<256xi32> to vector<256x1xi32>
    %eq3A_26 = vector.broadcast %broadcast_in_dim3A_25 : vector<256x1xi32> to vector<256x4096xi32>
    %eq3A_27 = arith.cmpi eq, %iota3A, %eq3A_26 : vector<256x4096xi32>
    %convert_element_type3A_28 = arith.extui %eq3A_27 : vector<256x4096xi1> to vector<256x4096xi32>
    %convert_element_type3A_29 = arith.sitofp %convert_element_type3A_28 : vector<256x4096xi32> to vector<256x4096xf32>
    %get3A_30 = arith.constant 0 : index
    %get3A_31 = arith.constant 0 : index
    %get3A_32 = vector.load %arg3[%get3A_30, %get3A_31] : memref<4096x128xbf16, #tpu.memory_space<vmem>>, vector<4096x128xbf16>
    %convert_element_type3A_33 = arith.truncf %convert_element_type3A_29 : vector<256x4096xf32> to vector<256x4096xbf16>
    %dot_general3A_34 = arith.constant dense<0.000000e+00> : vector<256x128xf32>
    %dot_general3A_35 = tpu.matmul %convert_element_type3A_33, %get3A_32, %dot_general3A_34 {dimension_numbers = #tpu.dot_dimension_numbers<[1], [0], [0], [1], [0, 0, 1, 1], [], []>, transpose_lhs_hint = false} : vector<256x4096xbf16>, vector<4096x128xbf16>, vector<256x128xf32> -> vector<256x128xf32>
    %convert_element_type3A_36 = arith.truncf %dot_general3A_35 : vector<256x128xf32> to vector<256x128xbf16>
    %swap3A_37 = arith.constant 0 : index
    %swap3A_38 = arith.constant 0 : index
    %swap3A_39 = vector.load %arg5[%swap3A_37, %swap3A_38] : memref<2048x128xbf16, #tpu.memory_space<vmem>>, vector<256x128xbf16>
    tpu.vector_store %arg5[%swap3A_37, %swap3A_38], %convert_element_type3A_36 {strides = array<i32>} : memref<2048x128xbf16, #tpu.memory_space<vmem>>, vector<256x128xbf16>,
    %jit3A_40 = arith.constant 0xFF800000 : f32
    %broadcast_in_dim3A_41 = vector.broadcast %jit3A_40 : f32 to vector<256x4096xf32>
    %select_n3A_42 = arith.select %eq3A_27, %broadcast_in_dim3A_41, %add3A_9 : vector<256x4096xi1>, vector<256x4096xf32>
    %reduce_max3A_43 = arith.constant dense<0xFF800000> : vector<256xf32>
    %reduce_max3A_44 = vector.multi_reduction <maximumf>, %select_n3A_42, %reduce_max3A_43 [1] : vector<256x4096xf32> to vector<256xf32>
    %broadcast_in_dim3A_45 = vector.shape_cast %reduce_max3A_44 : vector<256xf32> to vector<256x1xf32>
    %eq3A_46 = vector.broadcast %broadcast_in_dim3A_45 : vector<256x1xf32> to vector<256x4096xf32>
    %eq3A_47 = arith.cmpf oeq, %select_n3A_42, %eq3A_46 : vector<256x4096xf32>
    %jit3A_48 = arith.constant 4096 : i32
    %broadcast_in_dim3A_49 = vector.broadcast %jit3A_48 : i32 to vector<256x4096xi32>
    %select_n3A_50 = arith.select %eq3A_47, %iota3A, %broadcast_in_dim3A_49 : vector<256x4096xi1>, vector<256x4096xi32>
    %reduce_min3A_51 = arith.constant dense<2147483647> : vector<256xi32>
    %reduce_min3A_52 = vector.multi_reduction <minsi>, %select_n3A_50, %reduce_min3A_51 [1] : vector<256x4096xi32> to vector<256xi32>
    %broadcast_in_dim3A_53 = vector.shape_cast %reduce_min3A_52 : vector<256xi32> to vector<256x1xi32>
    %eq3A_54 = vector.broadcast %broadcast_in_dim3A_53 : vector<256x1xi32> to vector<256x4096xi32>
    %eq3A_55 = arith.cmpi eq, %iota3A, %eq3A_54 : vector<256x4096xi32>
    %convert_element_type3A_56 = arith.extui %eq3A_55 : vector<256x4096xi1> to vector<256x4096xi32>
    %convert_element_type3A_57 = arith.sitofp %convert_element_type3A_56 : vector<256x4096xi32> to vector<256x4096xf32>
    %get3A_58 = arith.constant 0 : index
    %get3A_59 = arith.constant 0 : index
    %get3A_60 = vector.load %arg3[%get3A_58, %get3A_59] : memref<4096x128xbf16, #tpu.memory_space<vmem>>, vector<4096x128xbf16>
    %convert_element_type3A_61 = arith.truncf %convert_element_type3A_57 : vector<256x4096xf32> to vector<256x4096xbf16>
    %dot_general3A_62 = arith.constant dense<0.000000e+00> : vector<256x128xf32>
    %dot_general3A_63 = tpu.matmul %convert_element_type3A_61, %get3A_60, %dot_general3A_62 {dimension_numbers = #tpu.dot_dimension_numbers<[1], [0], [0], [1], [0, 0, 1, 1], [], []>, transpose_lhs_hint = false} : vector<256x4096xbf16>, vector<4096x128xbf16>, vector<256x128xf32> -> vector<256x128xf32>
    %convert_element_type3A_64 = arith.truncf %dot_general3A_63 : vector<256x128xf32> to vector<256x128xbf16>
    %swap3A_65 = arith.constant 256 : index
    %swap3A_66 = arith.constant 0 : index
    %swap3A_67 = vector.load %arg5[%swap3A_65, %swap3A_66] : memref<2048x128xbf16, #tpu.memory_space<vmem>>, vector<256x128xbf16>
    tpu.vector_store %arg5[%swap3A_65, %swap3A_66], %convert_element_type3A_64 {strides = array<i32>} : memref<2048x128xbf16, #tpu.memory_space<vmem>>, vector<256x128xbf16>,
    %jit3A_68 = arith.constant 0xFF800000 : f32
    %broadcast_in_dim3A_69 = vector.broadcast %jit3A_68 : f32 to vector<256x4096xf32>
    %select_n3A_70 = arith.select %eq3A_55, %broadcast_in_dim3A_69, %select_n3A_42 : vector<256x4096xi1>, vector<256x4096xf32>
    %reduce_max3A_71 = arith.constant dense<0xFF800000> : vector<256xf32>
    %reduce_max3A_72 = vector.multi_reduction <maximumf>, %select_n3A_70, %reduce_max3A_71 [1] : vector<256x4096xf32> to vector<256xf32>
    %broadcast_in_dim3A_73 = vector.shape_cast %reduce_max3A_72 : vector<256xf32> to vector<256x1xf32>
    %eq3A_74 = vector.broadcast %broadcast_in_dim3A_73 : vector<256x1xf32> to vector<256x4096xf32>
    %eq3A_75 = arith.cmpf oeq, %select_n3A_70, %eq3A_74 : vector<256x4096xf32>
    %jit3A_76 = arith.constant 4096 : i32
    %broadcast_in_dim3A_77 = vector.broadcast %jit3A_76 : i32 to vector<256x4096xi32>
    %select_n3A_78 = arith.select %eq3A_75, %iota3A, %broadcast_in_dim3A_77 : vector<256x4096xi1>, vector<256x4096xi32>
    %reduce_min3A_79 = arith.constant dense<2147483647> : vector<256xi32>
    %reduce_min3A_80 = vector.multi_reduction <minsi>, %select_n3A_78, %reduce_min3A_79 [1] : vector<256x4096xi32> to vector<256xi32>
    %broadcast_in_dim3A_81 = vector.shape_cast %reduce_min3A_80 : vector<256xi32> to vector<256x1xi32>
    %eq3A_82 = vector.broadcast %broadcast_in_dim3A_81 : vector<256x1xi32> to vector<256x4096xi32>
    %eq3A_83 = arith.cmpi eq, %iota3A, %eq3A_82 : vector<256x4096xi32>
    %convert_element_type3A_84 = arith.extui %eq3A_83 : vector<256x4096xi1> to vector<256x4096xi32>
    %convert_element_type3A_85 = arith.sitofp %convert_element_type3A_84 : vector<256x4096xi32> to vector<256x4096xf32>
    %get3A_86 = arith.constant 0 : index
    %get3A_87 = arith.constant 0 : index
    %get3A_88 = vector.load %arg3[%get3A_86, %get3A_87] : memref<4096x128xbf16, #tpu.memory_space<vmem>>, vector<4096x128xbf16>
    %convert_element_type3A_89 = arith.truncf %convert_element_type3A_85 : vector<256x4096xf32> to vector<256x4096xbf16>
    %dot_general3A_90 = arith.constant dense<0.000000e+00> : vector<256x128xf32>
    %dot_general3A_91 = tpu.matmul %convert_element_type3A_89, %get3A_88, %dot_general3A_90 {dimension_numbers = #tpu.dot_dimension_numbers<[1], [0], [0], [1], [0, 0, 1, 1], [], []>, transpose_lhs_hint = false} : vector<256x4096xbf16>, vector<4096x128xbf16>, vector<256x128xf32> -> vector<256x128xf32>
    %convert_element_type3A_92 = arith.truncf %dot_general3A_91 : vector<256x128xf32> to vector<256x128xbf16>
    %swap3A_93 = arith.constant 512 : index
    %swap3A_94 = arith.constant 0 : index
    %swap3A_95 = vector.load %arg5[%swap3A_93, %swap3A_94] : memref<2048x128xbf16, #tpu.memory_space<vmem>>, vector<256x128xbf16>
    tpu.vector_store %arg5[%swap3A_93, %swap3A_94], %convert_element_type3A_92 {strides = array<i32>} : memref<2048x128xbf16, #tpu.memory_space<vmem>>, vector<256x128xbf16>,
    %jit3A_96 = arith.constant 0xFF800000 : f32
    %broadcast_in_dim3A_97 = vector.broadcast %jit3A_96 : f32 to vector<256x4096xf32>
    %select_n3A_98 = arith.select %eq3A_83, %broadcast_in_dim3A_97, %select_n3A_70 : vector<256x4096xi1>, vector<256x4096xf32>
    %reduce_max3A_99 = arith.constant dense<0xFF800000> : vector<256xf32>
    %reduce_max3A_100 = vector.multi_reduction <maximumf>, %select_n3A_98, %reduce_max3A_99 [1] : vector<256x4096xf32> to vector<256xf32>
    %broadcast_in_dim3A_101 = vector.shape_cast %reduce_max3A_100 : vector<256xf32> to vector<256x1xf32>
    %eq3A_102 = vector.broadcast %broadcast_in_dim3A_101 : vector<256x1xf32> to vector<256x4096xf32>
    %eq3A_103 = arith.cmpf oeq, %select_n3A_98, %eq3A_102 : vector<256x4096xf32>
    %jit3A_104 = arith.constant 4096 : i32
    %broadcast_in_dim3A_105 = vector.broadcast %jit3A_104 : i32 to vector<256x4096xi32>
    %select_n3A_106 = arith.select %eq3A_103, %iota3A, %broadcast_in_dim3A_105 : vector<256x4096xi1>, vector<256x4096xi32>
    %reduce_min3A_107 = arith.constant dense<2147483647> : vector<256xi32>
    %reduce_min3A_108 = vector.multi_reduction <minsi>, %select_n3A_106, %reduce_min3A_107 [1] : vector<256x4096xi32> to vector<256xi32>
    %broadcast_in_dim3A_109 = vector.shape_cast %reduce_min3A_108 : vector<256xi32> to vector<256x1xi32>
    %eq3A_110 = vector.broadcast %broadcast_in_dim3A_109 : vector<256x1xi32> to vector<256x4096xi32>
    %eq3A_111 = arith.cmpi eq, %iota3A, %eq3A_110 : vector<256x4096xi32>
    %convert_element_type3A_112 = arith.extui %eq3A_111 : vector<256x4096xi1> to vector<256x4096xi32>
    %convert_element_type3A_113 = arith.sitofp %convert_element_type3A_112 : vector<256x4096xi32> to vector<256x4096xf32>
    %get3A_114 = arith.constant 0 : index
    %get3A_115 = arith.constant 0 : index
    %get3A_116 = vector.load %arg3[%get3A_114, %get3A_115] : memref<4096x128xbf16, #tpu.memory_space<vmem>>, vector<4096x128xbf16>
    %convert_element_type3A_117 = arith.truncf %convert_element_type3A_113 : vector<256x4096xf32> to vector<256x4096xbf16>
    %dot_general3A_118 = arith.constant dense<0.000000e+00> : vector<256x128xf32>
    %dot_general3A_119 = tpu.matmul %convert_element_type3A_117, %get3A_116, %dot_general3A_118 {dimension_numbers = #tpu.dot_dimension_numbers<[1], [0], [0], [1], [0, 0, 1, 1], [], []>, transpose_lhs_hint = false} : vector<256x4096xbf16>, vector<4096x128xbf16>, vector<256x128xf32> -> vector<256x128xf32>
    %convert_element_type3A_120 = arith.truncf %dot_general3A_119 : vector<256x128xf32> to vector<256x128xbf16>
    %swap3A_121 = arith.constant 768 : index
    %swap3A_122 = arith.constant 0 : index
    %swap3A_123 = vector.load %arg5[%swap3A_121, %swap3A_122] : memref<2048x128xbf16, #tpu.memory_space<vmem>>, vector<256x128xbf16>
    tpu.vector_store %arg5[%swap3A_121, %swap3A_122], %convert_element_type3A_120 {strides = array<i32>} : memref<2048x128xbf16, #tpu.memory_space<vmem>>, vector<256x128xbf16>,
    %jit3A_124 = arith.constant 0xFF800000 : f32
    %broadcast_in_dim3A_125 = vector.broadcast %jit3A_124 : f32 to vector<256x4096xf32>
    %select_n3A_126 = arith.select %eq3A_111, %broadcast_in_dim3A_125, %select_n3A_98 : vector<256x4096xi1>, vector<256x4096xf32>
    %reduce_max3A_127 = arith.constant dense<0xFF800000> : vector<256xf32>
    %reduce_max3A_128 = vector.multi_reduction <maximumf>, %select_n3A_126, %reduce_max3A_127 [1] : vector<256x4096xf32> to vector<256xf32>
    %broadcast_in_dim3A_129 = vector.shape_cast %reduce_max3A_128 : vector<256xf32> to vector<256x1xf32>
    %eq3A_130 = vector.broadcast %broadcast_in_dim3A_129 : vector<256x1xf32> to vector<256x4096xf32>
    %eq3A_131 = arith.cmpf oeq, %select_n3A_126, %eq3A_130 : vector<256x4096xf32>
    %jit3A_132 = arith.constant 4096 : i32
    %broadcast_in_dim3A_133 = vector.broadcast %jit3A_132 : i32 to vector<256x4096xi32>
    %select_n3A_134 = arith.select %eq3A_131, %iota3A, %broadcast_in_dim3A_133 : vector<256x4096xi1>, vector<256x4096xi32>
    %reduce_min3A_135 = arith.constant dense<2147483647> : vector<256xi32>
    %reduce_min3A_136 = vector.multi_reduction <minsi>, %select_n3A_134, %reduce_min3A_135 [1] : vector<256x4096xi32> to vector<256xi32>
    %broadcast_in_dim3A_137 = vector.shape_cast %reduce_min3A_136 : vector<256xi32> to vector<256x1xi32>
    %eq3A_138 = vector.broadcast %broadcast_in_dim3A_137 : vector<256x1xi32> to vector<256x4096xi32>
    %eq3A_139 = arith.cmpi eq, %iota3A, %eq3A_138 : vector<256x4096xi32>
    %convert_element_type3A_140 = arith.extui %eq3A_139 : vector<256x4096xi1> to vector<256x4096xi32>
    %convert_element_type3A_141 = arith.sitofp %convert_element_type3A_140 : vector<256x4096xi32> to vector<256x4096xf32>
    %get3A_142 = arith.constant 0 : index
    %get3A_143 = arith.constant 0 : index
    %get3A_144 = vector.load %arg3[%get3A_142, %get3A_143] : memref<4096x128xbf16, #tpu.memory_space<vmem>>, vector<4096x128xbf16>
    %convert_element_type3A_145 = arith.truncf %convert_element_type3A_141 : vector<256x4096xf32> to vector<256x4096xbf16>
    %dot_general3A_146 = arith.constant dense<0.000000e+00> : vector<256x128xf32>
    %dot_general3A_147 = tpu.matmul %convert_element_type3A_145, %get3A_144, %dot_general3A_146 {dimension_numbers = #tpu.dot_dimension_numbers<[1], [0], [0], [1], [0, 0, 1, 1], [], []>, transpose_lhs_hint = false} : vector<256x4096xbf16>, vector<4096x128xbf16>, vector<256x128xf32> -> vector<256x128xf32>
    %convert_element_type3A_148 = arith.truncf %dot_general3A_147 : vector<256x128xf32> to vector<256x128xbf16>
    %swap3A_149 = arith.constant 1024 : index
    %swap3A_150 = arith.constant 0 : index
    %swap3A_151 = vector.load %arg5[%swap3A_149, %swap3A_150] : memref<2048x128xbf16, #tpu.memory_space<vmem>>, vector<256x128xbf16>
    tpu.vector_store %arg5[%swap3A_149, %swap3A_150], %convert_element_type3A_148 {strides = array<i32>} : memref<2048x128xbf16, #tpu.memory_space<vmem>>, vector<256x128xbf16>,
    %jit3A_152 = arith.constant 0xFF800000 : f32
    %broadcast_in_dim3A_153 = vector.broadcast %jit3A_152 : f32 to vector<256x4096xf32>
    %select_n3A_154 = arith.select %eq3A_139, %broadcast_in_dim3A_153, %select_n3A_126 : vector<256x4096xi1>, vector<256x4096xf32>
    %reduce_max3A_155 = arith.constant dense<0xFF800000> : vector<256xf32>
    %reduce_max3A_156 = vector.multi_reduction <maximumf>, %select_n3A_154, %reduce_max3A_155 [1] : vector<256x4096xf32> to vector<256xf32>
    %broadcast_in_dim3A_157 = vector.shape_cast %reduce_max3A_156 : vector<256xf32> to vector<256x1xf32>
    %eq3A_158 = vector.broadcast %broadcast_in_dim3A_157 : vector<256x1xf32> to vector<256x4096xf32>
    %eq3A_159 = arith.cmpf oeq, %select_n3A_154, %eq3A_158 : vector<256x4096xf32>
    %jit3A_160 = arith.constant 4096 : i32
    %broadcast_in_dim3A_161 = vector.broadcast %jit3A_160 : i32 to vector<256x4096xi32>
    %select_n3A_162 = arith.select %eq3A_159, %iota3A, %broadcast_in_dim3A_161 : vector<256x4096xi1>, vector<256x4096xi32>
    %reduce_min3A_163 = arith.constant dense<2147483647> : vector<256xi32>
    %reduce_min3A_164 = vector.multi_reduction <minsi>, %select_n3A_162, %reduce_min3A_163 [1] : vector<256x4096xi32> to vector<256xi32>
    %broadcast_in_dim3A_165 = vector.shape_cast %reduce_min3A_164 : vector<256xi32> to vector<256x1xi32>
    %eq3A_166 = vector.broadcast %broadcast_in_dim3A_165 : vector<256x1xi32> to vector<256x4096xi32>
    %eq3A_167 = arith.cmpi eq, %iota3A, %eq3A_166 : vector<256x4096xi32>
    %convert_element_type3A_168 = arith.extui %eq3A_167 : vector<256x4096xi1> to vector<256x4096xi32>
    %convert_element_type3A_169 = arith.sitofp %convert_element_type3A_168 : vector<256x4096xi32> to vector<256x4096xf32>
    %get3A_170 = arith.constant 0 : index
    %get3A_171 = arith.constant 0 : index
    %get3A_172 = vector.load %arg3[%get3A_170, %get3A_171] : memref<4096x128xbf16, #tpu.memory_space<vmem>>, vector<4096x128xbf16>
    %convert_element_type3A_173 = arith.truncf %convert_element_type3A_169 : vector<256x4096xf32> to vector<256x4096xbf16>
    %dot_general3A_174 = arith.constant dense<0.000000e+00> : vector<256x128xf32>
    %dot_general3A_175 = tpu.matmul %convert_element_type3A_173, %get3A_172, %dot_general3A_174 {dimension_numbers = #tpu.dot_dimension_numbers<[1], [0], [0], [1], [0, 0, 1, 1], [], []>, transpose_lhs_hint = false} : vector<256x4096xbf16>, vector<4096x128xbf16>, vector<256x128xf32> -> vector<256x128xf32>
    %convert_element_type3A_176 = arith.truncf %dot_general3A_175 : vector<256x128xf32> to vector<256x128xbf16>
    %swap3A_177 = arith.constant 1280 : index
    %swap3A_178 = arith.constant 0 : index
    %swap3A_179 = vector.load %arg5[%swap3A_177, %swap3A_178] : memref<2048x128xbf16, #tpu.memory_space<vmem>>, vector<256x128xbf16>
    tpu.vector_store %arg5[%swap3A_177, %swap3A_178], %convert_element_type3A_176 {strides = array<i32>} : memref<2048x128xbf16, #tpu.memory_space<vmem>>, vector<256x128xbf16>,
    %jit3A_180 = arith.constant 0xFF800000 : f32
    %broadcast_in_dim3A_181 = vector.broadcast %jit3A_180 : f32 to vector<256x4096xf32>
    %select_n3A_182 = arith.select %eq3A_167, %broadcast_in_dim3A_181, %select_n3A_154 : vector<256x4096xi1>, vector<256x4096xf32>
    %reduce_max3A_183 = arith.constant dense<0xFF800000> : vector<256xf32>
    %reduce_max3A_184 = vector.multi_reduction <maximumf>, %select_n3A_182, %reduce_max3A_183 [1] : vector<256x4096xf32> to vector<256xf32>
    %broadcast_in_dim3A_185 = vector.shape_cast %reduce_max3A_184 : vector<256xf32> to vector<256x1xf32>
    %eq3A_186 = vector.broadcast %broadcast_in_dim3A_185 : vector<256x1xf32> to vector<256x4096xf32>
    %eq3A_187 = arith.cmpf oeq, %select_n3A_182, %eq3A_186 : vector<256x4096xf32>
    %jit3A_188 = arith.constant 4096 : i32
    %broadcast_in_dim3A_189 = vector.broadcast %jit3A_188 : i32 to vector<256x4096xi32>
    %select_n3A_190 = arith.select %eq3A_187, %iota3A, %broadcast_in_dim3A_189 : vector<256x4096xi1>, vector<256x4096xi32>
    %reduce_min3A_191 = arith.constant dense<2147483647> : vector<256xi32>
    %reduce_min3A_192 = vector.multi_reduction <minsi>, %select_n3A_190, %reduce_min3A_191 [1] : vector<256x4096xi32> to vector<256xi32>
    %broadcast_in_dim3A_193 = vector.shape_cast %reduce_min3A_192 : vector<256xi32> to vector<256x1xi32>
    %eq3A_194 = vector.broadcast %broadcast_in_dim3A_193 : vector<256x1xi32> to vector<256x4096xi32>
    %eq3A_195 = arith.cmpi eq, %iota3A, %eq3A_194 : vector<256x4096xi32>
    %convert_element_type3A_196 = arith.extui %eq3A_195 : vector<256x4096xi1> to vector<256x4096xi32>
    %convert_element_type3A_197 = arith.sitofp %convert_element_type3A_196 : vector<256x4096xi32> to vector<256x4096xf32>
    %get3A_198 = arith.constant 0 : index
    %get3A_199 = arith.constant 0 : index
    %get3A_200 = vector.load %arg3[%get3A_198, %get3A_199] : memref<4096x128xbf16, #tpu.memory_space<vmem>>, vector<4096x128xbf16>
    %convert_element_type3A_201 = arith.truncf %convert_element_type3A_197 : vector<256x4096xf32> to vector<256x4096xbf16>
    %dot_general3A_202 = arith.constant dense<0.000000e+00> : vector<256x128xf32>
    %dot_general3A_203 = tpu.matmul %convert_element_type3A_201, %get3A_200, %dot_general3A_202 {dimension_numbers = #tpu.dot_dimension_numbers<[1], [0], [0], [1], [0, 0, 1, 1], [], []>, transpose_lhs_hint = false} : vector<256x4096xbf16>, vector<4096x128xbf16>, vector<256x128xf32> -> vector<256x128xf32>
    %convert_element_type3A_204 = arith.truncf %dot_general3A_203 : vector<256x128xf32> to vector<256x128xbf16>
    %swap3A_205 = arith.constant 1536 : index
    %swap3A_206 = arith.constant 0 : index
    %swap3A_207 = vector.load %arg5[%swap3A_205, %swap3A_206] : memref<2048x128xbf16, #tpu.memory_space<vmem>>, vector<256x128xbf16>
    tpu.vector_store %arg5[%swap3A_205, %swap3A_206], %convert_element_type3A_204 {strides = array<i32>} : memref<2048x128xbf16, #tpu.memory_space<vmem>>, vector<256x128xbf16>,
    %jit3A_208 = arith.constant 0xFF800000 : f32
    %broadcast_in_dim3A_209 = vector.broadcast %jit3A_208 : f32 to vector<256x4096xf32>
    %select_n3A_210 = arith.select %eq3A_195, %broadcast_in_dim3A_209, %select_n3A_182 : vector<256x4096xi1>, vector<256x4096xf32>
    %reduce_max3A_211 = arith.constant dense<0xFF800000> : vector<256xf32>
    %reduce_max3A_212 = vector.multi_reduction <maximumf>, %select_n3A_210, %reduce_max3A_211 [1] : vector<256x4096xf32> to vector<256xf32>
    %broadcast_in_dim3A_213 = vector.shape_cast %reduce_max3A_212 : vector<256xf32> to vector<256x1xf32>
    %eq3A_214 = vector.broadcast %broadcast_in_dim3A_213 : vector<256x1xf32> to vector<256x4096xf32>
    %eq3A_215 = arith.cmpf oeq, %select_n3A_210, %eq3A_214 : vector<256x4096xf32>
    %jit3A_216 = arith.constant 4096 : i32
    %broadcast_in_dim3A_217 = vector.broadcast %jit3A_216 : i32 to vector<256x4096xi32>
    %select_n3A_218 = arith.select %eq3A_215, %iota3A, %broadcast_in_dim3A_217 : vector<256x4096xi1>, vector<256x4096xi32>
    %reduce_min3A_219 = arith.constant dense<2147483647> : vector<256xi32>
    %reduce_min3A_220 = vector.multi_reduction <minsi>, %select_n3A_218, %reduce_min3A_219 [1] : vector<256x4096xi32> to vector<256xi32>
    %broadcast_in_dim3A_221 = vector.shape_cast %reduce_min3A_220 : vector<256xi32> to vector<256x1xi32>
    %eq3A_222 = vector.broadcast %broadcast_in_dim3A_221 : vector<256x1xi32> to vector<256x4096xi32>
    %eq3A_223 = arith.cmpi eq, %iota3A, %eq3A_222 : vector<256x4096xi32>
    %convert_element_type3A_224 = arith.extui %eq3A_223 : vector<256x4096xi1> to vector<256x4096xi32>
    %convert_element_type3A_225 = arith.sitofp %convert_element_type3A_224 : vector<256x4096xi32> to vector<256x4096xf32>
    %get3A_226 = arith.constant 0 : index
    %get3A_227 = arith.constant 0 : index
    %get3A_228 = vector.load %arg3[%get3A_226, %get3A_227] : memref<4096x128xbf16, #tpu.memory_space<vmem>>, vector<4096x128xbf16>
    %convert_element_type3A_229 = arith.truncf %convert_element_type3A_225 : vector<256x4096xf32> to vector<256x4096xbf16>
    %dot_general3A_230 = arith.constant dense<0.000000e+00> : vector<256x128xf32>
    %dot_general3A_231 = tpu.matmul %convert_element_type3A_229, %get3A_228, %dot_general3A_230 {dimension_numbers = #tpu.dot_dimension_numbers<[1], [0], [0], [1], [0, 0, 1, 1], [], []>, transpose_lhs_hint = false} : vector<256x4096xbf16>, vector<4096x128xbf16>, vector<256x128xf32> -> vector<256x128xf32>
    %convert_element_type3A_232 = arith.truncf %dot_general3A_231 : vector<256x128xf32> to vector<256x128xbf16>
    %swap3A_233 = arith.constant 1792 : index
    %swap3A_234 = arith.constant 0 : index
    %swap3A_235 = vector.load %arg5[%swap3A_233, %swap3A_234] : memref<2048x128xbf16, #tpu.memory_space<vmem>>, vector<256x128xbf16>
    tpu.vector_store %arg5[%swap3A_233, %swap3A_234], %convert_element_type3A_232 {strides = array<i32>} : memref<2048x128xbf16, #tpu.memory_space<vmem>>, vector<256x128xbf16>,
    return
  }
}

module attributes {stable_mosaic.version = 14 : i64} {
  func.func @_expand_krn(%arg0: i32, %arg1: memref<256x128xbf16, #tpu.memory_space<vmem>>, %arg2: memref<256x1024xf32, #tpu.memory_space<vmem>>, %arg3: memref<128x1024xbf16, #tpu.memory_space<vmem>>, %arg4: memref<1024x4096xbf16, #tpu.memory_space<vmem>>, %arg5: memref<1x4096xf32, #tpu.memory_space<vmem>>, %arg6: memref<4096x128xbf16, #tpu.memory_space<vmem>>, %arg7: memref<1024x1024xbf16, #tpu.memory_space<vmem>>, %arg8: memref<128x1024xbf16, #tpu.memory_space<vmem>>, %arg9: memref<1x512xbf16, #tpu.memory_space<vmem>>, %arg10: memref<1024x1xbf16, #tpu.memory_space<vmem>>, %arg11: memref<1536x1xbf16, #tpu.memory_space<vmem>>, %arg12: memref<1x1xf32, #tpu.memory_space<vmem>>, %arg13: memref<256x1024xf32, #tpu.memory_space<vmem>>, %arg14: memref<256x1xf32, #tpu.memory_space<vmem>>) attributes {dimension_semantics = [#tpu.dimension_semantics<arbitrary>], iteration_bounds = array<i64: 8>, scalar_prefetch = 0 : i64, scratch_operands = 0 : i64, tpu.core_type = #tpu.core_type<tc>, window_params = [{transform_indices = @transform_0, window_bounds = array<i64: 256, 128>}, {pipeline_mode = #tpu.pipeline_mode<synchronous>, transform_indices = @transform_1, window_bounds = array<i64: 256, 1024>}, {pipeline_mode = #tpu.pipeline_mode<synchronous>, transform_indices = @transform_2, window_bounds = array<i64: 128, 1024>}, {pipeline_mode = #tpu.pipeline_mode<synchronous>, transform_indices = @transform_3, window_bounds = array<i64: 1024, 4096>}, {pipeline_mode = #tpu.pipeline_mode<synchronous>, transform_indices = @transform_4, window_bounds = array<i64: 1, 4096>}, {pipeline_mode = #tpu.pipeline_mode<synchronous>, transform_indices = @transform_5, window_bounds = array<i64: 4096, 128>}, {pipeline_mode = #tpu.pipeline_mode<synchronous>, transform_indices = @transform_6, window_bounds = array<i64: 1024, 1024>}, {pipeline_mode = #tpu.pipeline_mode<synchronous>, transform_indices = @transform_7, window_bounds = array<i64: 128, 1024>}, {pipeline_mode = #tpu.pipeline_mode<synchronous>, transform_indices = @transform_8, window_bounds = array<i64: 1, 512>}, {pipeline_mode = #tpu.pipeline_mode<synchronous>, transform_indices = @transform_9, window_bounds = array<i64: 1024, 1>}, {pipeline_mode = #tpu.pipeline_mode<synchronous>, transform_indices = @transform_10, window_bounds = array<i64: 1536, 1>}, {pipeline_mode = #tpu.pipeline_mode<synchronous>, transform_indices = @transform_11, window_bounds = array<i64: 1, 1>}, {transform_indices = @transform_12, window_bounds = array<i64: 256, 1024>}, {transform_indices = @transform_13, window_bounds = array<i64: 256, 1>}]} {
    %get3A = arith.constant 0 : index
    %get3A_0 = arith.constant 0 : index
    %get3A_1 = vector.load %arg2[%get3A, %get3A_0] : memref<256x1024xf32, #tpu.memory_space<vmem>>, vector<256x1024xf32>
    %get3A_2 = arith.constant 0 : index
    %get3A_3 = arith.constant 0 : index
    %get3A_4 = vector.load %arg1[%get3A_2, %get3A_3] : memref<256x128xbf16, #tpu.memory_space<vmem>>, vector<256x128xbf16>
    %get3A_5 = arith.constant 0 : index
    %get3A_6 = arith.constant 0 : index
    %get3A_7 = vector.load %arg3[%get3A_5, %get3A_6] : memref<128x1024xbf16, #tpu.memory_space<vmem>>, vector<128x1024xbf16>
    %dot_general3A = arith.constant dense<0.000000e+00> : vector<256x1024xf32>
    %dot_general3A_8 = tpu.matmul %get3A_4, %get3A_7, %dot_general3A {dimension_numbers = #tpu.dot_dimension_numbers<[1], [0], [0], [1], [0, 0, 1, 1], [], []>, transpose_lhs_hint = false} : vector<256x128xbf16>, vector<128x1024xbf16>, vector<256x1024xf32> -> vector<256x1024xf32>
    %add3A = arith.addf %get3A_1, %dot_general3A_8 : vector<256x1024xf32>
    %tanh3A = math.tanh %add3A : vector<256x1024xf32>
    %get3A_9 = arith.constant 0 : index
    %get3A_10 = arith.constant 0 : index
    %get3A_11 = vector.load %arg4[%get3A_9, %get3A_10] : memref<1024x4096xbf16, #tpu.memory_space<vmem>>, vector<1024x4096xbf16>
    %convert_element_type3A = arith.truncf %tanh3A : vector<256x1024xf32> to vector<256x1024xbf16>
    %dot_general3A_12 = arith.constant dense<0.000000e+00> : vector<256x4096xf32>
    %dot_general3A_13 = tpu.matmul %convert_element_type3A, %get3A_11, %dot_general3A_12 {dimension_numbers = #tpu.dot_dimension_numbers<[1], [0], [0], [1], [0, 0, 1, 1], [], []>, transpose_lhs_hint = false} : vector<256x1024xbf16>, vector<1024x4096xbf16>, vector<256x4096xf32> -> vector<256x4096xf32>
    %get3A_14 = arith.constant 0 : index
    %get3A_15 = arith.constant 0 : index
    %get3A_16 = vector.load %arg5[%get3A_14, %get3A_15] : memref<1x4096xf32, #tpu.memory_space<vmem>>, vector<1x4096xf32>
    %add3A_17 = vector.broadcast %get3A_16 : vector<1x4096xf32> to vector<256x4096xf32>
    %add3A_18 = arith.addf %dot_general3A_13, %add3A_17 : vector<256x4096xf32>
    %reduce_max3A = arith.constant dense<0xFF800000> : vector<256xf32>
    %reduce_max3A_19 = vector.multi_reduction <maximumf>, %add3A_18, %reduce_max3A [1] : vector<256x4096xf32> to vector<256xf32>
    %broadcast_in_dim3A = vector.shape_cast %reduce_max3A_19 : vector<256xf32> to vector<256x1xf32>
    %iota3A = tpu.iota {dimensions = array<i32: 1>} : vector<256x4096xi32>
    %eq3A = vector.broadcast %broadcast_in_dim3A : vector<256x1xf32> to vector<256x4096xf32>
    %eq3A_20 = arith.cmpf oeq, %add3A_18, %eq3A : vector<256x4096xf32>
    %jit3A = arith.constant 4096 : i32
    %broadcast_in_dim3A_21 = vector.broadcast %jit3A : i32 to vector<256x4096xi32>
    %select_n3A = arith.select %eq3A_20, %iota3A, %broadcast_in_dim3A_21 : vector<256x4096xi1>, vector<256x4096xi32>
    %reduce_min3A = arith.constant dense<2147483647> : vector<256xi32>
    %reduce_min3A_22 = vector.multi_reduction <minsi>, %select_n3A, %reduce_min3A [1] : vector<256x4096xi32> to vector<256xi32>
    %broadcast_in_dim3A_23 = vector.shape_cast %reduce_min3A_22 : vector<256xi32> to vector<256x1xi32>
    %eq3A_24 = vector.broadcast %broadcast_in_dim3A_23 : vector<256x1xi32> to vector<256x4096xi32>
    %eq3A_25 = arith.cmpi eq, %iota3A, %eq3A_24 : vector<256x4096xi32>
    %convert_element_type3A_26 = arith.extui %eq3A_25 : vector<256x4096xi1> to vector<256x4096xi32>
    %convert_element_type3A_27 = arith.sitofp %convert_element_type3A_26 : vector<256x4096xi32> to vector<256x4096xf32>
    %get3A_28 = arith.constant 0 : index
    %get3A_29 = arith.constant 0 : index
    %get3A_30 = vector.load %arg6[%get3A_28, %get3A_29] : memref<4096x128xbf16, #tpu.memory_space<vmem>>, vector<4096x128xbf16>
    %convert_element_type3A_31 = arith.truncf %convert_element_type3A_27 : vector<256x4096xf32> to vector<256x4096xbf16>
    %dot_general3A_32 = arith.constant dense<0.000000e+00> : vector<256x128xf32>
    %dot_general3A_33 = tpu.matmul %convert_element_type3A_31, %get3A_30, %dot_general3A_32 {dimension_numbers = #tpu.dot_dimension_numbers<[1], [0], [0], [1], [0, 0, 1, 1], [], []>, transpose_lhs_hint = false} : vector<256x4096xbf16>, vector<4096x128xbf16>, vector<256x128xf32> -> vector<256x128xf32>
    %get3A_34 = arith.constant 0 : index
    %get3A_35 = arith.constant 0 : index
    %get3A_36 = vector.load %arg7[%get3A_34, %get3A_35] : memref<1024x1024xbf16, #tpu.memory_space<vmem>>, vector<1024x1024xbf16>
    %convert_element_type3A_37 = arith.truncf %tanh3A : vector<256x1024xf32> to vector<256x1024xbf16>
    %dot_general3A_38 = arith.constant dense<0.000000e+00> : vector<256x1024xf32>
    %dot_general3A_39 = tpu.matmul %convert_element_type3A_37, %get3A_36, %dot_general3A_38 {dimension_numbers = #tpu.dot_dimension_numbers<[1], [0], [0], [1], [0, 0, 1, 1], [], []>, transpose_lhs_hint = false} : vector<256x1024xbf16>, vector<1024x1024xbf16>, vector<256x1024xf32> -> vector<256x1024xf32>
    %get3A_40 = arith.constant 0 : index
    %get3A_41 = arith.constant 0 : index
    %get3A_42 = vector.load %arg8[%get3A_40, %get3A_41] : memref<128x1024xbf16, #tpu.memory_space<vmem>>, vector<128x1024xbf16>
    %convert_element_type3A_43 = arith.truncf %dot_general3A_33 : vector<256x128xf32> to vector<256x128xbf16>
    %dot_general3A_44 = arith.constant dense<0.000000e+00> : vector<256x1024xf32>
    %dot_general3A_45 = tpu.matmul %convert_element_type3A_43, %get3A_42, %dot_general3A_44 {dimension_numbers = #tpu.dot_dimension_numbers<[1], [0], [0], [1], [0, 0, 1, 1], [], []>, transpose_lhs_hint = false} : vector<256x128xbf16>, vector<128x1024xbf16>, vector<256x1024xf32> -> vector<256x1024xf32>
    %add3A_46 = arith.addf %dot_general3A_39, %dot_general3A_45 : vector<256x1024xf32>
    %tanh3A_47 = math.tanh %add3A_46 : vector<256x1024xf32>
    %swap3A = arith.constant 0 : index
    %swap3A_48 = arith.constant 0 : index
    %swap3A_49 = vector.load %arg13[%swap3A, %swap3A_48] : memref<256x1024xf32, #tpu.memory_space<vmem>>, vector<256x1024xf32>
    tpu.vector_store %arg13[%swap3A, %swap3A_48], %tanh3A_47 {strides = array<i32>} : memref<256x1024xf32, #tpu.memory_space<vmem>>, vector<256x1024xf32>,
    %get3A_50 = arith.constant 0 : index
    %get3A_51 = arith.constant 0 : index
    %get3A_52 = vector.load %arg13[%get3A_50, %get3A_51] : memref<256x1024xf32, #tpu.memory_space<vmem>>, vector<256x1024xf32>
    %get3A_53 = arith.constant 0 : index
    %get3A_54 = arith.constant 0 : index
    %get3A_55 = vector.load %arg10[%get3A_53, %get3A_54] : memref<1024x1xbf16, #tpu.memory_space<vmem>>, vector<1024x1xbf16>
    %convert_element_type3A_56 = arith.truncf %get3A_52 : vector<256x1024xf32> to vector<256x1024xbf16>
    %dot_general3A_57 = arith.constant dense<0.000000e+00> : vector<256x1xf32>
    %dot_general3A_58 = tpu.matmul %convert_element_type3A_56, %get3A_55, %dot_general3A_57 {dimension_numbers = #tpu.dot_dimension_numbers<[1], [0], [0], [1], [0, 0, 1, 1], [], []>, transpose_lhs_hint = false} : vector<256x1024xbf16>, vector<1024x1xbf16>, vector<256x1xf32> -> vector<256x1xf32>
    %get3A_59 = arith.constant 0 : index
    %get3A_60 = arith.constant 0 : index
    %get3A_61 = vector.load %arg9[%get3A_59, %get3A_60] : memref<1x512xbf16, #tpu.memory_space<vmem>>, vector<1x512xbf16>
    %broadcast_in_dim3A_62 = vector.shape_cast %get3A_61 : vector<1x512xbf16> to vector<1x512xbf16>
    %broadcast_in_dim3A_63 = vector.broadcast %broadcast_in_dim3A_62 : vector<1x512xbf16> to vector<256x512xbf16>
    %convert_element_type3A_64 = arith.extf %broadcast_in_dim3A_63 : vector<256x512xbf16> to vector<256x512xf32>
    %concatenate3A = tpu.concatenate %get3A_52, %convert_element_type3A_64 in 1 : vector<256x1024xf32>, vector<256x512xf32> -> vector<256x1536xf32>
    %get3A_65 = arith.constant 0 : index
    %get3A_66 = arith.constant 0 : index
    %get3A_67 = vector.load %arg11[%get3A_65, %get3A_66] : memref<1536x1xbf16, #tpu.memory_space<vmem>>, vector<1536x1xbf16>
    %convert_element_type3A_68 = arith.truncf %concatenate3A : vector<256x1536xf32> to vector<256x1536xbf16>
    %dot_general3A_69 = arith.constant dense<0.000000e+00> : vector<256x1xf32>
    %dot_general3A_70 = tpu.matmul %convert_element_type3A_68, %get3A_67, %dot_general3A_69 {dimension_numbers = #tpu.dot_dimension_numbers<[1], [0], [0], [1], [0, 0, 1, 1], [], []>, transpose_lhs_hint = false} : vector<256x1536xbf16>, vector<1536x1xbf16>, vector<256x1xf32> -> vector<256x1xf32>
    %get3A_71 = arith.constant 0 : index
    %get3A_72 = arith.constant 0 : index
    %get3A_73 = vector.load %arg12[%get3A_71, %get3A_72] : memref<1x1xf32, #tpu.memory_space<vmem>>, vector<1x1xf32>
    %sub3A = vector.broadcast %get3A_73 : vector<1x1xf32> to vector<256x1xf32>
    %sub3A_74 = arith.subf %dot_general3A_58, %sub3A : vector<256x1xf32>
    %mul3A = arith.constant 6.000000e+00 : f32
    %mul3A_75 = vector.broadcast %mul3A : f32 to vector<256x1xf32>
    %mul3A_76 = arith.mulf %dot_general3A_70, %mul3A_75 : vector<256x1xf32>
    %add3A_77 = arith.addf %sub3A_74, %mul3A_76 : vector<256x1xf32>
    %swap3A_78 = arith.constant 0 : index
    %swap3A_79 = arith.constant 0 : index
    %swap3A_80 = vector.load %arg14[%swap3A_78, %swap3A_79] : memref<256x1xf32, #tpu.memory_space<vmem>>, vector<256x1xf32>
    tpu.vector_store %arg14[%swap3A_78, %swap3A_79], %add3A_77 {strides = array<i32>} : memref<256x1xf32, #tpu.memory_space<vmem>>, vector<256x1xf32>,
    return
  }
  func.func @transform_0(%arg0: i32) -> (i32, i32) {
    %c0_i32 = arith.constant 0 : i32
    %c0_i32_0 = arith.constant 0 : i32
    return %arg0, %c0_i32 : i32, i32
  }
  func.func @transform_1(%arg0: i32) -> (i32, i32) {
    %c0_i32 = arith.constant 0 : i32
    %c0_i32_0 = arith.constant 0 : i32
    %c0_i32_1 = arith.constant 0 : i32
    return %c0_i32, %c0_i32_0 : i32, i32
  }
  func.func @transform_2(%arg0: i32) -> (i32, i32) {
    %c0_i32 = arith.constant 0 : i32
    %c0_i32_0 = arith.constant 0 : i32
    %c0_i32_1 = arith.constant 0 : i32
    return %c0_i32, %c0_i32_0 : i32, i32
  }
  func.func @transform_3(%arg0: i32) -> (i32, i32) {
    %c0_i32 = arith.constant 0 : i32
    %c0_i32_0 = arith.constant 0 : i32
    %c0_i32_1 = arith.constant 0 : i32
    return %c0_i32, %c0_i32_0 : i32, i32
  }
  func.func @transform_4(%arg0: i32) -> (i32, i32) {
    %c0_i32 = arith.constant 0 : i32
    %c0_i32_0 = arith.constant 0 : i32
    %c0_i32_1 = arith.constant 0 : i32
    return %c0_i32, %c0_i32_0 : i32, i32
  }
  func.func @transform_5(%arg0: i32) -> (i32, i32) {
    %c0_i32 = arith.constant 0 : i32
    %c0_i32_0 = arith.constant 0 : i32
    %c0_i32_1 = arith.constant 0 : i32
    return %c0_i32, %c0_i32_0 : i32, i32
  }
  func.func @transform_6(%arg0: i32) -> (i32, i32) {
    %c0_i32 = arith.constant 0 : i32
    %c0_i32_0 = arith.constant 0 : i32
    %c0_i32_1 = arith.constant 0 : i32
    return %c0_i32, %c0_i32_0 : i32, i32
  }
  func.func @transform_7(%arg0: i32) -> (i32, i32) {
    %c0_i32 = arith.constant 0 : i32
    %c0_i32_0 = arith.constant 0 : i32
    %c0_i32_1 = arith.constant 0 : i32
    return %c0_i32, %c0_i32_0 : i32, i32
  }
  func.func @transform_8(%arg0: i32) -> (i32, i32) {
    %c0_i32 = arith.constant 0 : i32
    %c0_i32_0 = arith.constant 0 : i32
    %c0_i32_1 = arith.constant 0 : i32
    return %c0_i32, %c0_i32_0 : i32, i32
  }
  func.func @transform_9(%arg0: i32) -> (i32, i32) {
    %c0_i32 = arith.constant 0 : i32
    %c0_i32_0 = arith.constant 0 : i32
    %c0_i32_1 = arith.constant 0 : i32
    return %c0_i32, %c0_i32_0 : i32, i32
  }
  func.func @transform_10(%arg0: i32) -> (i32, i32) {
    %c0_i32 = arith.constant 0 : i32
    %c0_i32_0 = arith.constant 0 : i32
    %c0_i32_1 = arith.constant 0 : i32
    return %c0_i32, %c0_i32_0 : i32, i32
  }
  func.func @transform_11(%arg0: i32) -> (i32, i32) {
    %c0_i32 = arith.constant 0 : i32
    %c0_i32_0 = arith.constant 0 : i32
    %c0_i32_1 = arith.constant 0 : i32
    return %c0_i32, %c0_i32_0 : i32, i32
  }
  func.func @transform_12(%arg0: i32) -> (i32, i32) {
    %c0_i32 = arith.constant 0 : i32
    %c0_i32_0 = arith.constant 0 : i32
    return %arg0, %c0_i32 : i32, i32
  }
  func.func @transform_13(%arg0: i32) -> (i32, i32) {
    %c0_i32 = arith.constant 0 : i32
    %c0_i32_0 = arith.constant 0 : i32
    return %arg0, %c0_i32 : i32, i32
  }
}

module attributes {stable_mosaic.version = 14 : i64} {
  func.func @_expand_krn(%arg0: i32, %arg1: memref<256x128xbf16, #tpu.memory_space<vmem>>, %arg2: memref<256x1024xf32, #tpu.memory_space<vmem>>, %arg3: memref<128x1024xbf16, #tpu.memory_space<vmem>>, %arg4: memref<1024x4096xbf16, #tpu.memory_space<vmem>>, %arg5: memref<1x4096xf32, #tpu.memory_space<vmem>>, %arg6: memref<4096x128xbf16, #tpu.memory_space<vmem>>, %arg7: memref<1024x1024xbf16, #tpu.memory_space<vmem>>, %arg8: memref<128x1024xbf16, #tpu.memory_space<vmem>>, %arg9: memref<1x512xbf16, #tpu.memory_space<vmem>>, %arg10: memref<1024x1xbf16, #tpu.memory_space<vmem>>, %arg11: memref<1536x1xbf16, #tpu.memory_space<vmem>>, %arg12: memref<1x1xf32, #tpu.memory_space<vmem>>, %arg13: memref<256x1024xf32, #tpu.memory_space<vmem>>, %arg14: memref<256x1xf32, #tpu.memory_space<vmem>>) attributes {dimension_semantics = [#tpu.dimension_semantics<arbitrary>], iteration_bounds = array<i64: 8>, scalar_prefetch = 0 : i64, scratch_operands = 0 : i64, tpu.core_type = #tpu.core_type<tc>, window_params = [{transform_indices = @transform_0, window_bounds = array<i64: 256, 128>}, {pipeline_mode = #tpu.pipeline_mode<synchronous>, transform_indices = @transform_1, window_bounds = array<i64: 256, 1024>}, {pipeline_mode = #tpu.pipeline_mode<synchronous>, transform_indices = @transform_2, window_bounds = array<i64: 128, 1024>}, {pipeline_mode = #tpu.pipeline_mode<synchronous>, transform_indices = @transform_3, window_bounds = array<i64: 1024, 4096>}, {pipeline_mode = #tpu.pipeline_mode<synchronous>, transform_indices = @transform_4, window_bounds = array<i64: 1, 4096>}, {pipeline_mode = #tpu.pipeline_mode<synchronous>, transform_indices = @transform_5, window_bounds = array<i64: 4096, 128>}, {pipeline_mode = #tpu.pipeline_mode<synchronous>, transform_indices = @transform_6, window_bounds = array<i64: 1024, 1024>}, {pipeline_mode = #tpu.pipeline_mode<synchronous>, transform_indices = @transform_7, window_bounds = array<i64: 128, 1024>}, {pipeline_mode = #tpu.pipeline_mode<synchronous>, transform_indices = @transform_8, window_bounds = array<i64: 1, 512>}, {pipeline_mode = #tpu.pipeline_mode<synchronous>, transform_indices = @transform_9, window_bounds = array<i64: 1024, 1>}, {pipeline_mode = #tpu.pipeline_mode<synchronous>, transform_indices = @transform_10, window_bounds = array<i64: 1536, 1>}, {pipeline_mode = #tpu.pipeline_mode<synchronous>, transform_indices = @transform_11, window_bounds = array<i64: 1, 1>}, {transform_indices = @transform_12, window_bounds = array<i64: 256, 1024>}, {transform_indices = @transform_13, window_bounds = array<i64: 256, 1>}]} {
    %get3A = arith.constant 0 : index
    %get3A_0 = arith.constant 0 : index
    %get3A_1 = vector.load %arg2[%get3A, %get3A_0] : memref<256x1024xf32, #tpu.memory_space<vmem>>, vector<256x1024xf32>
    %get3A_2 = arith.constant 0 : index
    %get3A_3 = arith.constant 0 : index
    %get3A_4 = vector.load %arg1[%get3A_2, %get3A_3] : memref<256x128xbf16, #tpu.memory_space<vmem>>, vector<256x128xbf16>
    %get3A_5 = arith.constant 0 : index
    %get3A_6 = arith.constant 0 : index
    %get3A_7 = vector.load %arg3[%get3A_5, %get3A_6] : memref<128x1024xbf16, #tpu.memory_space<vmem>>, vector<128x1024xbf16>
    %dot_general3A = arith.constant dense<0.000000e+00> : vector<256x1024xf32>
    %dot_general3A_8 = tpu.matmul %get3A_4, %get3A_7, %dot_general3A {dimension_numbers = #tpu.dot_dimension_numbers<[1], [0], [0], [1], [0, 0, 1, 1], [], []>, transpose_lhs_hint = false} : vector<256x128xbf16>, vector<128x1024xbf16>, vector<256x1024xf32> -> vector<256x1024xf32>
    %add3A = arith.addf %get3A_1, %dot_general3A_8 : vector<256x1024xf32>
    %tanh3A = math.tanh %add3A : vector<256x1024xf32>
    %get3A_9 = arith.constant 0 : index
    %get3A_10 = arith.constant 0 : index
    %get3A_11 = vector.load %arg4[%get3A_9, %get3A_10] : memref<1024x4096xbf16, #tpu.memory_space<vmem>>, vector<1024x4096xbf16>
    %convert_element_type3A = arith.truncf %tanh3A : vector<256x1024xf32> to vector<256x1024xbf16>
    %dot_general3A_12 = arith.constant dense<0.000000e+00> : vector<256x4096xf32>
    %dot_general3A_13 = tpu.matmul %convert_element_type3A, %get3A_11, %dot_general3A_12 {dimension_numbers = #tpu.dot_dimension_numbers<[1], [0], [0], [1], [0, 0, 1, 1], [], []>, transpose_lhs_hint = false} : vector<256x1024xbf16>, vector<1024x4096xbf16>, vector<256x4096xf32> -> vector<256x4096xf32>
    %get3A_14 = arith.constant 0 : index
    %get3A_15 = arith.constant 0 : index
    %get3A_16 = vector.load %arg5[%get3A_14, %get3A_15] : memref<1x4096xf32, #tpu.memory_space<vmem>>, vector<1x4096xf32>
    %add3A_17 = vector.broadcast %get3A_16 : vector<1x4096xf32> to vector<256x4096xf32>
    %add3A_18 = arith.addf %dot_general3A_13, %add3A_17 : vector<256x4096xf32>
    %reduce_max3A = arith.constant dense<0xFF800000> : vector<256xf32>
    %reduce_max3A_19 = vector.multi_reduction <maximumf>, %add3A_18, %reduce_max3A [1] : vector<256x4096xf32> to vector<256xf32>
    %broadcast_in_dim3A = vector.shape_cast %reduce_max3A_19 : vector<256xf32> to vector<256x1xf32>
    %iota3A = tpu.iota {dimensions = array<i32: 1>} : vector<256x4096xi32>
    %eq3A = vector.broadcast %broadcast_in_dim3A : vector<256x1xf32> to vector<256x4096xf32>
    %eq3A_20 = arith.cmpf oeq, %add3A_18, %eq3A : vector<256x4096xf32>
    %jit3A = arith.constant 4096 : i32
    %broadcast_in_dim3A_21 = vector.broadcast %jit3A : i32 to vector<256x4096xi32>
    %select_n3A = arith.select %eq3A_20, %iota3A, %broadcast_in_dim3A_21 : vector<256x4096xi1>, vector<256x4096xi32>
    %reduce_min3A = arith.constant dense<2147483647> : vector<256xi32>
    %reduce_min3A_22 = vector.multi_reduction <minsi>, %select_n3A, %reduce_min3A [1] : vector<256x4096xi32> to vector<256xi32>
    %broadcast_in_dim3A_23 = vector.shape_cast %reduce_min3A_22 : vector<256xi32> to vector<256x1xi32>
    %eq3A_24 = vector.broadcast %broadcast_in_dim3A_23 : vector<256x1xi32> to vector<256x4096xi32>
    %eq3A_25 = arith.cmpi eq, %iota3A, %eq3A_24 : vector<256x4096xi32>
    %convert_element_type3A_26 = arith.extui %eq3A_25 : vector<256x4096xi1> to vector<256x4096xi32>
    %convert_element_type3A_27 = arith.sitofp %convert_element_type3A_26 : vector<256x4096xi32> to vector<256x4096xf32>
    %get3A_28 = arith.constant 0 : index
    %get3A_29 = arith.constant 0 : index
    %get3A_30 = vector.load %arg6[%get3A_28, %get3A_29] : memref<4096x128xbf16, #tpu.memory_space<vmem>>, vector<4096x128xbf16>
    %convert_element_type3A_31 = arith.truncf %convert_element_type3A_27 : vector<256x4096xf32> to vector<256x4096xbf16>
    %dot_general3A_32 = arith.constant dense<0.000000e+00> : vector<256x128xf32>
    %dot_general3A_33 = tpu.matmul %convert_element_type3A_31, %get3A_30, %dot_general3A_32 {dimension_numbers = #tpu.dot_dimension_numbers<[1], [0], [0], [1], [0, 0, 1, 1], [], []>, transpose_lhs_hint = false} : vector<256x4096xbf16>, vector<4096x128xbf16>, vector<256x128xf32> -> vector<256x128xf32>
    %get3A_34 = arith.constant 0 : index
    %get3A_35 = arith.constant 0 : index
    %get3A_36 = vector.load %arg7[%get3A_34, %get3A_35] : memref<1024x1024xbf16, #tpu.memory_space<vmem>>, vector<1024x1024xbf16>
    %convert_element_type3A_37 = arith.truncf %tanh3A : vector<256x1024xf32> to vector<256x1024xbf16>
    %dot_general3A_38 = arith.constant dense<0.000000e+00> : vector<256x1024xf32>
    %dot_general3A_39 = tpu.matmul %convert_element_type3A_37, %get3A_36, %dot_general3A_38 {dimension_numbers = #tpu.dot_dimension_numbers<[1], [0], [0], [1], [0, 0, 1, 1], [], []>, transpose_lhs_hint = false} : vector<256x1024xbf16>, vector<1024x1024xbf16>, vector<256x1024xf32> -> vector<256x1024xf32>
    %get3A_40 = arith.constant 0 : index
    %get3A_41 = arith.constant 0 : index
    %get3A_42 = vector.load %arg8[%get3A_40, %get3A_41] : memref<128x1024xbf16, #tpu.memory_space<vmem>>, vector<128x1024xbf16>
    %convert_element_type3A_43 = arith.truncf %dot_general3A_33 : vector<256x128xf32> to vector<256x128xbf16>
    %dot_general3A_44 = arith.constant dense<0.000000e+00> : vector<256x1024xf32>
    %dot_general3A_45 = tpu.matmul %convert_element_type3A_43, %get3A_42, %dot_general3A_44 {dimension_numbers = #tpu.dot_dimension_numbers<[1], [0], [0], [1], [0, 0, 1, 1], [], []>, transpose_lhs_hint = false} : vector<256x128xbf16>, vector<128x1024xbf16>, vector<256x1024xf32> -> vector<256x1024xf32>
    %add3A_46 = arith.addf %dot_general3A_39, %dot_general3A_45 : vector<256x1024xf32>
    %tanh3A_47 = math.tanh %add3A_46 : vector<256x1024xf32>
    %swap3A = arith.constant 0 : index
    %swap3A_48 = arith.constant 0 : index
    %swap3A_49 = vector.load %arg13[%swap3A, %swap3A_48] : memref<256x1024xf32, #tpu.memory_space<vmem>>, vector<256x1024xf32>
    tpu.vector_store %arg13[%swap3A, %swap3A_48], %tanh3A_47 {strides = array<i32>} : memref<256x1024xf32, #tpu.memory_space<vmem>>, vector<256x1024xf32>,
    %get3A_50 = arith.constant 0 : index
    %get3A_51 = arith.constant 0 : index
    %get3A_52 = vector.load %arg13[%get3A_50, %get3A_51] : memref<256x1024xf32, #tpu.memory_space<vmem>>, vector<256x1024xf32>
    %get3A_53 = arith.constant 0 : index
    %get3A_54 = arith.constant 0 : index
    %get3A_55 = vector.load %arg10[%get3A_53, %get3A_54] : memref<1024x1xbf16, #tpu.memory_space<vmem>>, vector<1024x1xbf16>
    %convert_element_type3A_56 = arith.truncf %get3A_52 : vector<256x1024xf32> to vector<256x1024xbf16>
    %dot_general3A_57 = arith.constant dense<0.000000e+00> : vector<256x1xf32>
    %dot_general3A_58 = tpu.matmul %convert_element_type3A_56, %get3A_55, %dot_general3A_57 {dimension_numbers = #tpu.dot_dimension_numbers<[1], [0], [0], [1], [0, 0, 1, 1], [], []>, transpose_lhs_hint = false} : vector<256x1024xbf16>, vector<1024x1xbf16>, vector<256x1xf32> -> vector<256x1xf32>
    %get3A_59 = arith.constant 0 : index
    %get3A_60 = arith.constant 0 : index
    %get3A_61 = vector.load %arg9[%get3A_59, %get3A_60] : memref<1x512xbf16, #tpu.memory_space<vmem>>, vector<1x512xbf16>
    %broadcast_in_dim3A_62 = vector.shape_cast %get3A_61 : vector<1x512xbf16> to vector<1x512xbf16>
    %broadcast_in_dim3A_63 = vector.broadcast %broadcast_in_dim3A_62 : vector<1x512xbf16> to vector<256x512xbf16>
    %convert_element_type3A_64 = arith.extf %broadcast_in_dim3A_63 : vector<256x512xbf16> to vector<256x512xf32>
    %concatenate3A = tpu.concatenate %get3A_52, %convert_element_type3A_64 in 1 : vector<256x1024xf32>, vector<256x512xf32> -> vector<256x1536xf32>
    %get3A_65 = arith.constant 0 : index
    %get3A_66 = arith.constant 0 : index
    %get3A_67 = vector.load %arg11[%get3A_65, %get3A_66] : memref<1536x1xbf16, #tpu.memory_space<vmem>>, vector<1536x1xbf16>
    %convert_element_type3A_68 = arith.truncf %concatenate3A : vector<256x1536xf32> to vector<256x1536xbf16>
    %dot_general3A_69 = arith.constant dense<0.000000e+00> : vector<256x1xf32>
    %dot_general3A_70 = tpu.matmul %convert_element_type3A_68, %get3A_67, %dot_general3A_69 {dimension_numbers = #tpu.dot_dimension_numbers<[1], [0], [0], [1], [0, 0, 1, 1], [], []>, transpose_lhs_hint = false} : vector<256x1536xbf16>, vector<1536x1xbf16>, vector<256x1xf32> -> vector<256x1xf32>
    %get3A_71 = arith.constant 0 : index
    %get3A_72 = arith.constant 0 : index
    %get3A_73 = vector.load %arg12[%get3A_71, %get3A_72] : memref<1x1xf32, #tpu.memory_space<vmem>>, vector<1x1xf32>
    %sub3A = vector.broadcast %get3A_73 : vector<1x1xf32> to vector<256x1xf32>
    %sub3A_74 = arith.subf %dot_general3A_58, %sub3A : vector<256x1xf32>
    %mul3A = arith.constant 5.000000e+00 : f32
    %mul3A_75 = vector.broadcast %mul3A : f32 to vector<256x1xf32>
    %mul3A_76 = arith.mulf %dot_general3A_70, %mul3A_75 : vector<256x1xf32>
    %add3A_77 = arith.addf %sub3A_74, %mul3A_76 : vector<256x1xf32>
    %swap3A_78 = arith.constant 0 : index
    %swap3A_79 = arith.constant 0 : index
    %swap3A_80 = vector.load %arg14[%swap3A_78, %swap3A_79] : memref<256x1xf32, #tpu.memory_space<vmem>>, vector<256x1xf32>
    tpu.vector_store %arg14[%swap3A_78, %swap3A_79], %add3A_77 {strides = array<i32>} : memref<256x1xf32, #tpu.memory_space<vmem>>, vector<256x1xf32>,
    return
  }
  func.func @transform_0(%arg0: i32) -> (i32, i32) {
    %c0_i32 = arith.constant 0 : i32
    %c0_i32_0 = arith.constant 0 : i32
    return %arg0, %c0_i32 : i32, i32
  }
  func.func @transform_1(%arg0: i32) -> (i32, i32) {
    %c0_i32 = arith.constant 0 : i32
    %c0_i32_0 = arith.constant 0 : i32
    %c0_i32_1 = arith.constant 0 : i32
    return %c0_i32, %c0_i32_0 : i32, i32
  }
  func.func @transform_2(%arg0: i32) -> (i32, i32) {
    %c0_i32 = arith.constant 0 : i32
    %c0_i32_0 = arith.constant 0 : i32
    %c0_i32_1 = arith.constant 0 : i32
    return %c0_i32, %c0_i32_0 : i32, i32
  }
  func.func @transform_3(%arg0: i32) -> (i32, i32) {
    %c0_i32 = arith.constant 0 : i32
    %c0_i32_0 = arith.constant 0 : i32
    %c0_i32_1 = arith.constant 0 : i32
    return %c0_i32, %c0_i32_0 : i32, i32
  }
  func.func @transform_4(%arg0: i32) -> (i32, i32) {
    %c0_i32 = arith.constant 0 : i32
    %c0_i32_0 = arith.constant 0 : i32
    %c0_i32_1 = arith.constant 0 : i32
    return %c0_i32, %c0_i32_0 : i32, i32
  }
  func.func @transform_5(%arg0: i32) -> (i32, i32) {
    %c0_i32 = arith.constant 0 : i32
    %c0_i32_0 = arith.constant 0 : i32
    %c0_i32_1 = arith.constant 0 : i32
    return %c0_i32, %c0_i32_0 : i32, i32
  }
  func.func @transform_6(%arg0: i32) -> (i32, i32) {
    %c0_i32 = arith.constant 0 : i32
    %c0_i32_0 = arith.constant 0 : i32
    %c0_i32_1 = arith.constant 0 : i32
    return %c0_i32, %c0_i32_0 : i32, i32
  }
  func.func @transform_7(%arg0: i32) -> (i32, i32) {
    %c0_i32 = arith.constant 0 : i32
    %c0_i32_0 = arith.constant 0 : i32
    %c0_i32_1 = arith.constant 0 : i32
    return %c0_i32, %c0_i32_0 : i32, i32
  }
  func.func @transform_8(%arg0: i32) -> (i32, i32) {
    %c0_i32 = arith.constant 0 : i32
    %c0_i32_0 = arith.constant 0 : i32
    %c0_i32_1 = arith.constant 0 : i32
    return %c0_i32, %c0_i32_0 : i32, i32
  }
  func.func @transform_9(%arg0: i32) -> (i32, i32) {
    %c0_i32 = arith.constant 0 : i32
    %c0_i32_0 = arith.constant 0 : i32
    %c0_i32_1 = arith.constant 0 : i32
    return %c0_i32, %c0_i32_0 : i32, i32
  }
  func.func @transform_10(%arg0: i32) -> (i32, i32) {
    %c0_i32 = arith.constant 0 : i32
    %c0_i32_0 = arith.constant 0 : i32
    %c0_i32_1 = arith.constant 0 : i32
    return %c0_i32, %c0_i32_0 : i32, i32
  }
  func.func @transform_11(%arg0: i32) -> (i32, i32) {
    %c0_i32 = arith.constant 0 : i32
    %c0_i32_0 = arith.constant 0 : i32
    %c0_i32_1 = arith.constant 0 : i32
    return %c0_i32, %c0_i32_0 : i32, i32
  }
  func.func @transform_12(%arg0: i32) -> (i32, i32) {
    %c0_i32 = arith.constant 0 : i32
    %c0_i32_0 = arith.constant 0 : i32
    return %arg0, %c0_i32 : i32, i32
  }
  func.func @transform_13(%arg0: i32) -> (i32, i32) {
    %c0_i32 = arith.constant 0 : i32
    %c0_i32_0 = arith.constant 0 : i32
    return %arg0, %c0_i32 : i32, i32
  }
}

module attributes {stable_mosaic.version = 14 : i64} {
  func.func @_trace_krn(%arg0: memref<1x2048xf32, #tpu.memory_space<vmem>>, %arg1: memref<1x256xf32, #tpu.memory_space<vmem>>, %arg2: memref<1x256xf32, #tpu.memory_space<vmem>>, %arg3: memref<1x2048xf32, #tpu.memory_space<vmem>>, %arg4: memref<4096x128xf32, #tpu.memory_space<vmem>>, %arg5: memref<1x128xf32, #tpu.memory_space<vmem>>) attributes {dimension_semantics = [], scalar_prefetch = 0 : i64, scratch_operands = 0 : i64, tpu.core_type = #tpu.core_type<tc>} {
    %get3A = arith.constant 0 : index
    %get3A_0 = arith.constant 0 : index
    %get3A_1 = vector.load %arg0[%get3A, %get3A_0] : memref<1x2048xf32, #tpu.memory_space<vmem>>, vector<1x2048xf32>
    %iota3A = tpu.iota {dimensions = array<i32: 1>} : vector<1x2048xi32>
    %reduce_max3A = vector.shape_cast %get3A_1 : vector<1x2048xf32> to vector<1x1x2048xf32>
    %reduce_max3A_2 = arith.constant dense<0xFF800000> : vector<1xf32>
    %reduce_max3A_3 = vector.multi_reduction <maximumf>, %reduce_max3A, %reduce_max3A_2 [1, 2] : vector<1x1x2048xf32> to vector<1xf32>
    %reduce_max3A_4 = vector.shape_cast %reduce_max3A_3 : vector<1xf32> to vector<1x1x1xf32>
    %reduce_max3A_5 = vector.extract %reduce_max3A_4[0, 0, 0] : f32 from vector<1x1x1xf32>
    %eq3A = vector.broadcast %reduce_max3A_5 : f32 to vector<1x2048xf32>
    %eq3A_6 = arith.cmpf oeq, %get3A_1, %eq3A : vector<1x2048xf32>
    %jit3A = arith.constant 2048 : i32
    %broadcast_in_dim3A = vector.broadcast %jit3A : i32 to vector<1x2048xi32>
    %select_n3A = arith.select %eq3A_6, %iota3A, %broadcast_in_dim3A : vector<1x2048xi1>, vector<1x2048xi32>
    %reduce_min3A = vector.shape_cast %select_n3A : vector<1x2048xi32> to vector<1x1x2048xi32>
    %reduce_min3A_7 = arith.constant dense<2147483647> : vector<1xi32>
    %reduce_min3A_8 = vector.multi_reduction <minsi>, %reduce_min3A, %reduce_min3A_7 [1, 2] : vector<1x1x2048xi32> to vector<1xi32>
    %reduce_min3A_9 = vector.shape_cast %reduce_min3A_8 : vector<1xi32> to vector<1x1x1xi32>
    %reduce_min3A_10 = vector.extract %reduce_min3A_9[0, 0, 0] : i32 from vector<1x1x1xi32>
    %jit3A_11 = arith.constant 256 : i32
    %eq3A_12 = arith.constant 0 : i32
    %eq3A_13 = arith.cmpi eq, %jit3A_11, %eq3A_12 : i32
    %jit3A_14 = arith.constant 1 : i32
    %select_n3A_15 = arith.select %eq3A_13, %jit3A_14, %jit3A_11 : i32
    %rem3A = arith.remsi %reduce_min3A_10, %select_n3A_15 : i32
    %ne3A = arith.constant 0 : i32
    %ne3A_16 = arith.cmpi ne, %rem3A, %ne3A : i32
    %lt3A = arith.constant 0 : i32
    %lt3A_17 = arith.cmpi slt, %rem3A, %lt3A : i32
    %lt3A_18 = arith.constant 0 : i32
    %lt3A_19 = arith.cmpi slt, %select_n3A_15, %lt3A_18 : i32
    %ne3A_20 = arith.xori %lt3A_17, %lt3A_19 : i1
    %and3A = arith.andi %ne3A_20, %ne3A_16 : i1
    %add3A = arith.addi %rem3A, %select_n3A_15 : i32
    %select_n3A_21 = arith.select %and3A, %add3A, %rem3A : i32
    %iota3A_22 = tpu.iota {dimensions = array<i32: 1>} : vector<1x256xi32>
    %eq3A_23 = vector.broadcast %select_n3A_21 : i32 to vector<1x256xi32>
    %eq3A_24 = arith.cmpi eq, %iota3A_22, %eq3A_23 : vector<1x256xi32>
    %get3A_25 = arith.constant 0 : index
    %get3A_26 = arith.constant 0 : index
    %get3A_27 = vector.load %arg1[%get3A_25, %get3A_26] : memref<1x256xf32, #tpu.memory_space<vmem>>, vector<1x256xf32>
    %jit3A_28 = arith.constant 0.000000e+00 : f32
    %broadcast_in_dim3A_29 = vector.broadcast %jit3A_28 : f32 to vector<1x256xf32>
    %select_n3A_30 = arith.select %eq3A_24, %get3A_27, %broadcast_in_dim3A_29 : vector<1x256xi1>, vector<1x256xf32>
    %reduce_sum3A = vector.shape_cast %select_n3A_30 : vector<1x256xf32> to vector<1x1x256xf32>
    %reduce_sum3A_31 = arith.constant dense<0.000000e+00> : vector<1xf32>
    %reduce_sum3A_32 = vector.multi_reduction <add>, %reduce_sum3A, %reduce_sum3A_31 [1, 2] : vector<1x1x256xf32> to vector<1xf32>
    %reduce_sum3A_33 = vector.shape_cast %reduce_sum3A_32 : vector<1xf32> to vector<1x1x1xf32>
    %reduce_sum3A_34 = vector.extract %reduce_sum3A_33[0, 0, 0] : f32 from vector<1x1x1xf32>
    %convert_element_type3A = arith.fptosi %reduce_sum3A_34 : f32 to i32
    %jit3A_35 = arith.constant 256 : i32
    %eq3A_36 = arith.constant 0 : i32
    %eq3A_37 = arith.cmpi eq, %jit3A_35, %eq3A_36 : i32
    %jit3A_38 = arith.constant 1 : i32
    %select_n3A_39 = arith.select %eq3A_37, %jit3A_38, %jit3A_35 : i32
    %rem3A_40 = arith.remsi %convert_element_type3A, %select_n3A_39 : i32
    %ne3A_41 = arith.constant 0 : i32
    %ne3A_42 = arith.cmpi ne, %rem3A_40, %ne3A_41 : i32
    %lt3A_43 = arith.constant 0 : i32
    %lt3A_44 = arith.cmpi slt, %rem3A_40, %lt3A_43 : i32
    %lt3A_45 = arith.constant 0 : i32
    %lt3A_46 = arith.cmpi slt, %select_n3A_39, %lt3A_45 : i32
    %ne3A_47 = arith.xori %lt3A_44, %lt3A_46 : i1
    %and3A_48 = arith.andi %ne3A_47, %ne3A_42 : i1
    %add3A_49 = arith.addi %rem3A_40, %select_n3A_39 : i32
    %select_n3A_50 = arith.select %and3A_48, %add3A_49, %rem3A_40 : i32
    %eq3A_51 = vector.broadcast %select_n3A_50 : i32 to vector<1x256xi32>
    %eq3A_52 = arith.cmpi eq, %iota3A_22, %eq3A_51 : vector<1x256xi32>
    %get3A_53 = arith.constant 0 : index
    %get3A_54 = arith.constant 0 : index
    %get3A_55 = vector.load %arg2[%get3A_53, %get3A_54] : memref<1x256xf32, #tpu.memory_space<vmem>>, vector<1x256xf32>
    %jit3A_56 = arith.constant 0.000000e+00 : f32
    %broadcast_in_dim3A_57 = vector.broadcast %jit3A_56 : f32 to vector<1x256xf32>
    %select_n3A_58 = arith.select %eq3A_52, %get3A_55, %broadcast_in_dim3A_57 : vector<1x256xi1>, vector<1x256xf32>
    %reduce_sum3A_59 = vector.shape_cast %select_n3A_58 : vector<1x256xf32> to vector<1x1x256xf32>
    %reduce_sum3A_60 = arith.constant dense<0.000000e+00> : vector<1xf32>
    %reduce_sum3A_61 = vector.multi_reduction <add>, %reduce_sum3A_59, %reduce_sum3A_60 [1, 2] : vector<1x1x256xf32> to vector<1xf32>
    %reduce_sum3A_62 = vector.shape_cast %reduce_sum3A_61 : vector<1xf32> to vector<1x1x1xf32>
    %reduce_sum3A_63 = vector.extract %reduce_sum3A_62[0, 0, 0] : f32 from vector<1x1x1xf32>
    %convert_element_type3A_64 = arith.fptosi %reduce_sum3A_63 : f32 to i32
    %eq3A_65 = vector.broadcast %convert_element_type3A_64 : i32 to vector<1x2048xi32>
    %eq3A_66 = arith.cmpi eq, %iota3A, %eq3A_65 : vector<1x2048xi32>
    %get3A_67 = arith.constant 0 : index
    %get3A_68 = arith.constant 0 : index
    %get3A_69 = vector.load %arg3[%get3A_67, %get3A_68] : memref<1x2048xf32, #tpu.memory_space<vmem>>, vector<1x2048xf32>
    %jit3A_70 = arith.constant 0.000000e+00 : f32
    %broadcast_in_dim3A_71 = vector.broadcast %jit3A_70 : f32 to vector<1x2048xf32>
    %select_n3A_72 = arith.select %eq3A_66, %get3A_69, %broadcast_in_dim3A_71 : vector<1x2048xi1>, vector<1x2048xf32>
    %reduce_sum3A_73 = vector.shape_cast %select_n3A_72 : vector<1x2048xf32> to vector<1x1x2048xf32>
    %reduce_sum3A_74 = arith.constant dense<0.000000e+00> : vector<1xf32>
    %reduce_sum3A_75 = vector.multi_reduction <add>, %reduce_sum3A_73, %reduce_sum3A_74 [1, 2] : vector<1x1x2048xf32> to vector<1xf32>
    %reduce_sum3A_76 = vector.shape_cast %reduce_sum3A_75 : vector<1xf32> to vector<1x1x1xf32>
    %reduce_sum3A_77 = vector.extract %reduce_sum3A_76[0, 0, 0] : f32 from vector<1x1x1xf32>
    %convert_element_type3A_78 = arith.fptosi %reduce_sum3A_77 : f32 to i32
    %iota3A_79 = tpu.iota {dimensions = array<i32: 1>} : vector<1x4096xi32>
    %eq3A_80 = vector.broadcast %convert_element_type3A_78 : i32 to vector<1x4096xi32>
    %eq3A_81 = arith.cmpi eq, %iota3A_79, %eq3A_80 : vector<1x4096xi32>
    %convert_element_type3A_82 = arith.extui %eq3A_81 : vector<1x4096xi1> to vector<1x4096xi32>
    %convert_element_type3A_83 = arith.sitofp %convert_element_type3A_82 : vector<1x4096xi32> to vector<1x4096xf32>
    %get3A_84 = arith.constant 0 : index
    %get3A_85 = arith.constant 0 : index
    %get3A_86 = vector.load %arg4[%get3A_84, %get3A_85] : memref<4096x128xf32, #tpu.memory_space<vmem>>, vector<4096x128xf32>
    %dot_general3A = arith.constant dense<0.000000e+00> : vector<1x128xf32>
    %dot_general3A_87 = tpu.matmul %convert_element_type3A_83, %get3A_86, %dot_general3A {dimension_numbers = #tpu.dot_dimension_numbers<[1], [0], [0], [1], [0, 0, 1, 1], [], []>, precision = #tpu.contract_precision<fp32>, transpose_lhs_hint = false} : vector<1x4096xf32>, vector<4096x128xf32>, vector<1x128xf32> -> vector<1x128xf32>
    %swap3A = arith.constant 0 : index
    %swap3A_88 = arith.constant 0 : index
    %swap3A_89 = vector.load %arg5[%swap3A, %swap3A_88] : memref<1x128xf32, #tpu.memory_space<vmem>>, vector<1x128xf32>
    tpu.vector_store %arg5[%swap3A, %swap3A_88], %dot_general3A_87 {strides = array<i32>} : memref<1x128xf32, #tpu.memory_space<vmem>>, vector<1x128xf32>,
    return
  }
}

</mosaic_0001>

<sc_bundles>
// kernel: kernel.14.cloned.1.call-start
scs
__scs_entry_jumppad:
0x0: {  	(pc) =	sbr.rel $0x88, $3  }
0x1: {  	(tag) =	ssettag $0x0;
	lr =	simm.s32 $0x1  }
0x2: {  	[smem:$0x3F93] =	sst lr;
	_ =	strace $0xD0000000  }
0x3: {  	_ = 	snop  }
0x4: {  	_ = 	snop  }
0x5: {  	_ = 	snop  }
0x6: {  	_ = 	snop  }
0x7: {  	_ = 	snop  }
__scs_overlays_trampoline_lowered:
0x8: {  	[smem:$0x3FA2] =	sst s0  }
0x9: {  	[smem:$0x3FA3] =	sst s1  }
0xa: {  	[smem:$0x3FA4] =	sst s2  }
0xb: {  	[smem:$0x3FA5] =	sst s3  }
0xc: {  	[smem:$0x3FA6] =	sst s4  }
0xd: {  	[smem:$0x3FA7] =	sst s5  }
0xe: {  	[smem:$0x3FA8] =	sst s6  }
0xf: {  	[smem:$0x3FA9] =	sst s7  }
0x10: {  	[smem:$0x3FAA] =	sst s8  }
0x11: {  	[smem:$0x3FAB] =	sst s9;
	s0 =	simm.s32 @!p0 $0x0  }
0x12: {  	s1 =	sld [smem:$0x3F91];
	s0 =	simm.s32 @p0 $0x1  }
0x13: {  	[smem:$0x3FAC] =	sst s0;
	s0 =	simm.s32 @!p1 $0x0  }
0x14: {  	s2 =	sld [smem:$0x3F90];
	s0 =	simm.s32 @p1 $0x1  }
0x15: {  	[smem:$0x3FAD] =	sst s0;
	s0 =	simm.s32 @!p2 $0x0  }
0x16: {  	s3 =	sld [smem:$0x3FDB];
	s0 =	simm.s32 @p2 $0x1  }
0x17: {  	s4 =	simm.s32 $0x1BF5;
	[smem:$0x3FAF] =	sst s0  }
0x18: {  	s0 =	sld [smem:$0x3F92];
	_ =	swait.ge [sflag:s4], $0x0  }
0x19: {  	s7 =	sld [smem:$0x3F93]  }
0x1a: {  	s8 =	sadd.s32 $0xFFFFE003, lr  }
0x1b: {  	s9 =	sadd.s32 $0xFFFFFEF7, lr;
	s5 =	simm.s32 $0xFFFFFFFF;
	p2 =	slt.u32 s8, $0xFFFFF086  }
0x1c: {  	p1 =	slt.u32 s9, $0xF7A;
	s5 =	simm.s32 @!p2 $0x0  }
0x1d: {  	s5 =	simm.s32 @p1 $0x1;
	p0 =	seq.s32 s7, s2  }
0x1e: {  	s7 =	smul.u32 @!p0 $0xF7A, s2;
	p2 =	seq.s32 @!p0 s5, $0x0  }
0x1f: {  	s9 =	smul.u32 $0xF7A, s1;
	s8 =	simm.s32 @!p0 $0x1BF5;
	p2 =	por !p2, p0  }
0x20: {  	[sflag:s8] =	ssyncset.s32 @!p0 $0xFFFFF086;
	s6 =	sadd.s32 @!p0 s3, s7;
	s7 =	simm.s32 @!p0 $0x108  }
0x21: {  	s3 =	sadd.s32 s3, s9;
	s6 =	sadd.s32 @!p0 $0x88, s6;
	s7 =	simm.s32 @p2 $0x1082  }
0x22: {  	[simem:s7], [sflag:s8] =	dma.local @!p0 [hbm:s6], $0xF7A  }
0x23: {  	s9 =	sor.u32 $0xD0000000, s2;
	s6 =	simm.s32 $0x108;
	_ =	swait.ge @!p0 [sflag:s8], $0x0  }
0x24: {  	s3 =	sadd.s32 $0x88, s3;
	s6 =	simm.s32 @!p1 $0x1082;
	[sflag:s4] =	ssyncset.s32 $0xFFFFF086  }
0x25: {  	[simem:s6], [sflag:s4] =	dma.local [hbm:s3], $0xF7A  }
0x26: {  	[smem:$0x3F93] =	sst s1;
	(tag) =	ssettag s2;
	_ =	strace s9  }
0x27: {  	s1 =	sld [smem:$0x3FA3]  }
0x28: {  	s2 =	sld [smem:$0x3FA4]  }
0x29: {  	s4 =	sld [smem:$0x3FA6]  }
0x2a: {  	p0 =	seq.s32 s5, $0x0;
	s5 =	sld [smem:$0x3FA7]  }
0x2b: {  	s6 =	sld [smem:$0x3FA8]  }
0x2c: {  	s7 =	sld [smem:$0x3FA9]  }
0x2d: {  	s3 =	simm.s32 $0x108;
	s8 =	sld [smem:$0x3FAA]  }
0x2e: {  	s3 =	simm.s32 @!p0 $0x1082;
	s9 =	sld [smem:$0x3FAB]  }
0x2f: {  	lr =	sadd.s32 s0, s3;
	s0 =	sld [smem:$0x3FA2]  }
0x30: {  	s3 =	sld [smem:$0x3FA5]  }
0x31: {  	[smem:$0x3FAE] =	sst s10  }
0x32: {  	s10 =	sld [smem:$0x3FAC];
	_ =	sdelay $0x3  }
0x33: {  	p0 =	seq.s32 s10, $0x1;
	s10 =	sld [smem:$0x3FAE];
	_ =	sdelay $0x3  }
0x34: {  	[smem:$0x3FAE] =	sst s10  }
0x35: {  	s10 =	sld [smem:$0x3FAD];
	_ =	sdelay $0x3  }
0x36: {  	p1 =	seq.s32 s10, $0x1;
	s10 =	sld [smem:$0x3FAE];
	_ =	sdelay $0x3  }
0x37: {  	[smem:$0x3FAE] =	sst s10  }
0x38: {  	s10 =	sld [smem:$0x3FAF]  }
0x39: {  	_ = 	snop;
	(pc) =	sbr.ind lr, $3  }
0x3a: {  	_ = 	snop  }
0x3b: {  	_ = 	snop  }
0x3c: {  	p2 =	seq.s32 s10, $0x1;
	s10 =	sld [smem:$0x3FAE]  }
0x3d: {  	_ =	shalt  }
0x3e: {  	_ =	shalt  }
0x3f: {  	_ =	shalt  }
0x40: {  	_ =	shalt  }
0x41: {  	_ =	shalt  }
0x42: {  	_ =	shalt  }
0x43: {  	_ =	shalt  }
0x44: {  	_ =	shalt  }
0x45: {  	_ =	shalt  }
0x46: {  	_ =	shalt  }
0x47: {  	_ =	shalt  }
0x48: {  	_ =	shalt  }
0x49: {  	_ =	shalt  }
0x4a: {  	_ =	shalt  }
0x4b: {  	_ =	shalt  }
0x4c: {  	_ =	shalt  }
0x4d: {  	_ =	shalt  }
0x4e: {  	_ =	shalt  }
0x4f: {  	_ =	shalt  }
0x50: {  	_ =	shalt  }
0x51: {  	_ =	shalt  }
0x52: {  	_ =	shalt  }
0x53: {  	_ =	shalt  }
0x54: {  	_ =	shalt  }
0x55: {  	_ =	shalt  }
0x56: {  	_ =	shalt  }
0x57: {  	_ =	shalt  }
0x58: {  	_ =	shalt  }
0x59: {  	_ =	shalt  }
0x5a: {  	_ =	shalt  }
0x5b: {  	_ =	shalt  }
0x5c: {  	_ =	shalt  }
0x5d: {  	_ =	shalt  }
0x5e: {  	_ =	shalt  }
0x5f: {  	_ =	shalt  }
0x60: {  	_ =	shalt  }
0x61: {  	_ =	shalt  }
0x62: {  	_ =	shalt  }
0x63: {  	_ =	shalt  }
0x64: {  	_ =	shalt  }
0x65: {  	_ =	shalt  }
0x66: {  	_ =	shalt  }
0x67: {  	_ =	shalt  }
0x68: {  	_ =	shalt  }
0x69: {  	_ =	shalt  }
0x6a: {  	_ =	shalt  }
0x6b: {  	_ =	shalt  }
0x6c: {  	_ =	shalt  }
0x6d: {  	_ =	shalt  }
0x6e: {  	_ =	shalt  }
0x6f: {  	_ =	shalt  }
0x70: {  	_ =	shalt  }
0x71: {  	_ =	shalt  }
0x72: {  	_ =	shalt  }
0x73: {  	_ =	shalt  }
0x74: {  	_ =	shalt  }
0x75: {  	_ =	shalt  }
0x76: {  	_ =	shalt  }
0x77: {  	_ =	shalt  }
0x78: {  	_ =	shalt  }
0x79: {  	_ =	shalt  }
0x7a: {  	_ =	shalt  }
0x7b: {  	_ =	shalt  }
0x7c: {  	_ =	shalt  }
0x7d: {  	_ =	shalt  }
0x7e: {  	_ =	shalt  }
0x7f: {  	_ =	shalt  }
0x80: {  	_ =	shalt  }
0x81: {  	_ =	shalt  }
0x82: {  	_ =	shalt  }
0x83: {  	_ =	shalt  }
0x84: {  	_ =	shalt  }
0x85: {  	_ =	shalt  }
0x86: {  	_ =	shalt  }
0x87: {  	_ =	shalt  }
.Lfunc_end0:
.L_simem_size_0:
called_computation_lowered:
.L_overlay_start_0:
0x88: {  	s2 =	sld [smem:$0x3FD9]  }
0x89: {  	s3 =	sld [smem:$0x3FFE];
	_ =	sdelay $0x1  }
0x8a: {  	s1 =	srdreg.scid  }
0x8b: {  	s0 =	sand.u32 $0x1, s1  }
0x8c: {  	s16 =	sshll.u32 s0, $0xA;
	s2 =	sadd.s32 s3, s2  }
0x8d: {  	s2 =	sadd.s32 s2, s16  }
0x8e: {  	[smem:$0x3FBA] =	sst s2  }
0x8f: {  	_ = 	snop  }
0x90: {  	(tm) =	ssettm $0x1  }
0x91: {  	s17 =	sld [smem:$0x3FFB];
	_ =	sdelay $0x3  }
0x92: {  	_ =	strace s17  }
0x93: {  	s2 =	sld [smem:$0x3FFC];
	_ =	sdelay $0x3  }
0x94: {  	_ =	strace s2  }
0x95: {  	s2 =	sld [smem:$0x3FFD];
	_ =	sdelay $0x3  }
0x96: {  	_ =	strace s2  }
0x97: {  	_ =	strace $0x8FFFFFFF  }
0x98: {  	s18 =	sld [smem:$0x3FDB];
	_ =	sdelay $0x1  }
0x99: {  	s19 =	simm.s32 $_scs_section_size  }
0x9a: {  	s4 =	simm.s32 $_size__tile_overlayer_lowered;
	s5 =	simm.s32 $_tile_overlayer_lowered  }
0x9b: {  	s22 =	simm.s32 $0x1BFF;
	s21 =	sshll.u32 s5, $0x1;
	s2 =	sadd.s32 s19, s18  }
0x9c: {  	s6 =	simm.s32 $0x0;
	s20 =	sshll.u32 s4, $0x1;
	s4 =	sadd.s32 s21, s2  }
0x9d: {  	[timem:s6], [sflag:s22] =	dma.local [hbm:s4], s20  }
0x9e: {  	_ =	swait.ge [sflag:s22], s20  }
0x9f: {  	s3 =	ssub.s32 $0x0, s20;
	[sflag:s22] =	ssyncset.done $0x0  }
0xa0: {  	[sflag:s22] =	ssyncadd.s32 s3;
	_ =	sdelay $0x1  }
0xa1: {  	s23 =	simm.s32 $0x1B8B  }
0xa2: {  	_ =	swait.ge [sflag:s23], $0x1  }
0xa3: {  	[sflag:s23] =	ssyncset.done $0x0  }
0xa4: {  	s25 =	simm.s32 $0x1B8E;
	s24 =	sld [smem:$0x3FFE];
	[sflag:s23] =	ssyncadd.s32 $0xFFFFFFFF  }
0xa5: {  	s26 =	simm.s32 $execute0_lowered;
	[smem:$0x3FD2] =	sst s25  }
0xa6: {  	s4 =	sshll.u32 s26, $0x1;
	_ =	strace $0x80000046;
	[dreg:$0x1] =	wrdreg $0xFFFFFFFF  }
0xa7: {  	s28 =	simm.s32 $_size_execute0_lowered;
	s2 =	sadd.s32 s2, s4;
	[dreg:$0x0] =	wrdreg $0x0  }
0xa8: {  	s4 =	sshll.u32 s28, $0x1;
	[dreg:$0x2] =	wrdreg s2  }
0xa9: {  	[dreg:$0x3] =	wrdreg s4  }
0xaa: {  	[dreg:$0x4] =	wrdreg $0xC0  }
0xab: {  	_ =	task [dreg:s6], $0x5FFFF  }
0xac: {  	[dreg:$0x1] =	wrdreg $0xFFFFFFFF  }
0xad: {  	[dreg:$0x0] =	wrdreg $0x60  }
0xae: {  	[dreg:$0x2] =	wrdreg s24  }
0xaf: {  	[dreg:$0x3] =	wrdreg $0x9  }
0xb0: {  	_ =	task.clear_ibuf [dreg:s6], $0x4FFFF;
	_ =	strace $0x90000046  }
0xb1: {  	s29 =	simm.s32 $0x9;
	_ =	strace $0x80000048  }
0xb2: {  	_ =	swait.ge [sflag:s29], $0x1  }
0xb3: {  	[sflag:s29] =	ssyncadd.s32 $0xFFFFFFFF  }
0xb4: {  	_ =	strace $0x90000048  }
0xb5: {  	_ =	sfence  }
0xb6: {  	s30 =	sld [smem:$0x0];
	_ =	sdelay $0x2  }
0xb7: {  	s31 =	sshll.u32 s1, $0xD;
	s1 =	sshrl.u32 s1, $0x2  }
0xb8: {  	s3 =	sand.u32 $0x4000, s31;
	s1 =	sadd.s32 s1, s30  }
0xb9: {  	s0 =	sor.u32 s3, s0;
	s1 =	sshll.u32 s1, $0x11  }
0xba: {  	s0 =	sor.u32 s1, s0  }
0xbb: {  	s0 =	sadd.s32 $0x8F2B, s0  }
0xbc: {  	[sflag:s0] =	ssyncadd.remote.s32 $0x1  }
0xbd: {  	_ =	sfence.sel $0xFFFF  }
0xbe: {  	[dreg:$0x0] =	wrdreg $0xFFFFFFFF;
	(pc) =	sbr.abs _section_cstart, $3  }
0xbf: {  	[dreg:$0x1] =	wrdreg $0xFFFFFFFF  }
0xc0: {  	_ =	task.clear_ibuf [dreg:s6], $0x2FFFF;
	_ =	strace $0x9FFFFFFF  }
0xc1: {  	(tm) =	ssettm $0x7FFFFFFF  }
tec
execute0_lowered:
.L_overlay_start_1:
0x0: {  	(tag) =	ssettag $0x1  }
0x1: {  	s1 =	srdreg.scid  }
0x2: {  	s0 =	stileid.u32;
	s6 =	sand.u32 $0x1, s1  }
0x3: {  	s31 =	sshll.u32 s0, $0x4;
	s3 =	sshll.u32 s6, $0x3  }
0x4: {  	s2 =	rddreg [dreg:$0x0];
	s9 =	sor.u32 s3, s31  }
0x5: {  	s1 =	rddreg [dreg:$0x1];
	s3 =	simm.s32 $0x0;
	s4 =	sshrl.u32 s9, $0x3  }
0x6: {  	s10 =	ssub.s32 $0x2, s6;
	[smem:$0x7FF] =	sst s3;
	s4 =	sadd.s32 s4, s2  }
0x7: {  	_ =	strace $0x80000047;
	s5 =	sadd.s32 $0x40000, s4;
	s4 =	simm.s32 $0x2  }
0x8: {  	[tilespmem:s3], [sflag:$0x2] =	stream.linear.gather [hbm4b:s5+s3], $0x8, $0x38;
	[tilespmem:$0x2080] =	vst v63  }
0x9: {  	s7 =	simm.s32 $0x80;
	s11 =	sshrl.u32 s10, $0x1;
	_ =	swait.ge [sflag:s4], $0x8  }
0xa: {  	s8 =	simm.s32 $0x1;
	s10 =	ssub.s32 s10, s11;
	[sflag:s4] =	ssyncset.done $0x0  }
0xb: {  	s6 =	simm.s32 $0x8;
	s10 =	smax.u32 s10, $0x1;
	[sflag:s4] =	ssyncadd.s32 $0xFFFFFFF8  }
0xc: {  	[tilespmem:s7], [sflag:$0x1] =	stream.indirect.gather [hbm4b:s2+s6], $0x400, s3, s6, $0xb8;
	[tilespmem:$0x2080] =	vst v63  }
0xd: {  	s9 =	sshll.u32 s9, $0x7;
	p0 =	sne.s32 s10, $0x1;
	_ =	swait.ge [sflag:s8], $0x2000  }
.Ltmp0:
0xe: {  	s9 =	sadd.s32 s9, s2;
	[sflag:s8] =	ssyncset.done $0x0;
	(pc) =	sbr.rel @!p0 .LBB2_2-.Ltmp0, $4  }
0xf: {  	s9 =	sadd.s32 $0x40200, s9;
	[sflag:s8] =	ssyncadd.s32 $0xFFFFE000  }
0x10: {  	[hbm4b:s9+s3] =	stream.linear.scatter [tilespmem:s7], [sflag:$0x2], $0x2000, $0x38;
	[tilespmem:$0x2080] =	vst v63  }
0x11: {  	_ =	swait.ge [sflag:s4], $0x2000  }
0x12: {  	s10 =	sadd.s32 $0xFFFFFFFF, s10;
	[sflag:s4] =	ssyncset.done $0x0  }
.LBB2_1:
0x13: {  	p0 =	sne.s32 s10, $0x1;
	s10 =	sadd.s32 $0xFFFFFFFF, s10;
	[sflag:s4] =	ssyncadd.s32 $0xFFFFE000  }
0x14: {  	[tilespmem:s3], [sflag:$0x2] =	stream.linear.gather [hbm4b:s5+s3], $0x8, $0x38;
	[tilespmem:$0x2080] =	vst v63  }
0x15: {  	_ =	swait.ge [sflag:s4], $0x8  }
0x16: {  	[sflag:s4] =	ssyncset.done $0x0  }
0x17: {  	[sflag:s4] =	ssyncadd.s32 $0xFFFFFFF8  }
0x18: {  	[tilespmem:s7], [sflag:$0x1] =	stream.indirect.gather [hbm4b:s2+s6], $0x400, s3, s6, $0xb8;
	[tilespmem:$0x2080] =	vst v63  }
0x19: {  	_ =	swait.ge [sflag:s8], $0x2000  }
.Ltmp1:
0x1a: {  	[sflag:s8] =	ssyncset.done $0x0;
	(pc) =	sbr.rel @p0 .LBB2_1-.Ltmp1, $4  }
0x1b: {  	[sflag:s8] =	ssyncadd.s32 $0xFFFFE000  }
0x1c: {  	[hbm4b:s9+s3] =	stream.linear.scatter [tilespmem:s7], [sflag:$0x2], $0x2000, $0x38;
	[tilespmem:$0x2080] =	vst v63  }
0x1d: {  	_ =	swait.ge [sflag:s4], $0x2000  }
0x1e: {  	[sflag:s4] =	ssyncset.done $0x0  }
.LBB2_2:
0x1f: {  	[sflag:s4] =	ssyncadd.s32 $0xFFFFE000  }
0x20: {  	_ =	sfence.sel $0x180000  }
0x21: {  	[bflag:$0x0] =	sbarrier.arrive $0xFFFF  }
0x22: {  	p0 =	sne.s32 s0, $0x0;
	_ =	strace $0x90000047  }
0x23: {  	s0 =	sadd.s32 @!p0 $0x100000, s1;
	[bflag:$0x2] =	sbarrier.arrive $0xFFFF  }
0x24: {  	[sflag:s0] =	ssyncadd.tile.s32 @!p0 $0x1;
	_ =	shalt  }
.Lfunc_end2:
_tile_overlayer_lowered:
.L_overlay_start_2:
0x25: {  	(tag) =	ssettag $0x2  }
0x26: {  	s0 =	rddreg [dreg:$0x0];
	s2 =	stileid.u32  }
0x27: {  	s1 =	rddreg [dreg:$0x1];
	p0 =	sne.s32 s2, $0x0  }
0x28: {  	s3 =	rddreg [dreg:$0x2];
	[bflag:$0x3] =	sbarrier.arrive $0xFFFF;
	s2 =	simm.s32 @!p0 $0x1C02  }
0x29: {  	[timem:s3], [sflag:s2] =	dma.local @!p0 [hbm:s0], s1  }
0x2a: {  	s0 =	simm.s32 @!p0 $0x2  }
0x2b: {  	_ =	swait.ge @!p0 [sflag:s0], s1  }
0x2c: {  	s1 =	ssub.s32 @!p0 $0x0, s1;
	[sflag:s0] =	ssyncset.done @!p0 $0x0  }
0x2d: {  	[sflag:s0] =	ssyncadd.s32 @!p0 s1  }
0x2e: {  	[bflag:$0x3] =	sbarrier.arrive $0xFFFF  }
0x2f: {  	_ =	shalt  }

// kernel: kernel.17.cloned.1.call-start
scs
__scs_entry_jumppad:
0x0: {  	(pc) =	sbr.rel $0x88, $3  }
0x1: {  	(tag) =	ssettag $0x0;
	lr =	simm.s32 $0x1  }
0x2: {  	[smem:$0x3F93] =	sst lr;
	_ =	strace $0xD0000000  }
0x3: {  	_ = 	snop  }
0x4: {  	_ = 	snop  }
0x5: {  	_ = 	snop  }
0x6: {  	_ = 	snop  }
0x7: {  	_ = 	snop  }
__scs_overlays_trampoline_lowered:
0x8: {  	[smem:$0x3FA2] =	sst s0  }
0x9: {  	[smem:$0x3FA3] =	sst s1  }
0xa: {  	[smem:$0x3FA4] =	sst s2  }
0xb: {  	[smem:$0x3FA5] =	sst s3  }
0xc: {  	[smem:$0x3FA6] =	sst s4  }
0xd: {  	[smem:$0x3FA7] =	sst s5  }
0xe: {  	[smem:$0x3FA8] =	sst s6  }
0xf: {  	[smem:$0x3FA9] =	sst s7  }
0x10: {  	[smem:$0x3FAA] =	sst s8  }
0x11: {  	[smem:$0x3FAB] =	sst s9;
	s0 =	simm.s32 @!p0 $0x0  }
0x12: {  	s1 =	sld [smem:$0x3F91];
	s0 =	simm.s32 @p0 $0x1  }
0x13: {  	[smem:$0x3FAC] =	sst s0;
	s0 =	simm.s32 @!p1 $0x0  }
0x14: {  	s2 =	sld [smem:$0x3F90];
	s0 =	simm.s32 @p1 $0x1  }
0x15: {  	[smem:$0x3FAD] =	sst s0;
	s0 =	simm.s32 @!p2 $0x0  }
0x16: {  	s3 =	sld [smem:$0x3FDB];
	s0 =	simm.s32 @p2 $0x1  }
0x17: {  	s4 =	simm.s32 $0x1BF5;
	[smem:$0x3FAF] =	sst s0  }
0x18: {  	s0 =	sld [smem:$0x3F92];
	_ =	swait.ge [sflag:s4], $0x0  }
0x19: {  	s7 =	sld [smem:$0x3F93]  }
0x1a: {  	s8 =	sadd.s32 $0xFFFFE003, lr  }
0x1b: {  	s9 =	sadd.s32 $0xFFFFFEF7, lr;
	s5 =	simm.s32 $0xFFFFFFFF;
	p2 =	slt.u32 s8, $0xFFFFF086  }
0x1c: {  	p1 =	slt.u32 s9, $0xF7A;
	s5 =	simm.s32 @!p2 $0x0  }
0x1d: {  	s5 =	simm.s32 @p1 $0x1;
	p0 =	seq.s32 s7, s2  }
0x1e: {  	s7 =	smul.u32 @!p0 $0xF7A, s2;
	p2 =	seq.s32 @!p0 s5, $0x0  }
0x1f: {  	s9 =	smul.u32 $0xF7A, s1;
	s8 =	simm.s32 @!p0 $0x1BF5;
	p2 =	por !p2, p0  }
0x20: {  	[sflag:s8] =	ssyncset.s32 @!p0 $0xFFFFF086;
	s6 =	sadd.s32 @!p0 s3, s7;
	s7 =	simm.s32 @!p0 $0x108  }
0x21: {  	s3 =	sadd.s32 s3, s9;
	s6 =	sadd.s32 @!p0 $0x88, s6;
	s7 =	simm.s32 @p2 $0x1082  }
0x22: {  	[simem:s7], [sflag:s8] =	dma.local @!p0 [hbm:s6], $0xF7A  }
0x23: {  	s9 =	sor.u32 $0xD0000000, s2;
	s6 =	simm.s32 $0x108;
	_ =	swait.ge @!p0 [sflag:s8], $0x0  }
0x24: {  	s3 =	sadd.s32 $0x88, s3;
	s6 =	simm.s32 @!p1 $0x1082;
	[sflag:s4] =	ssyncset.s32 $0xFFFFF086  }
0x25: {  	[simem:s6], [sflag:s4] =	dma.local [hbm:s3], $0xF7A  }
0x26: {  	[smem:$0x3F93] =	sst s1;
	(tag) =	ssettag s2;
	_ =	strace s9  }
0x27: {  	s1 =	sld [smem:$0x3FA3]  }
0x28: {  	s2 =	sld [smem:$0x3FA4]  }
0x29: {  	s4 =	sld [smem:$0x3FA6]  }
0x2a: {  	p0 =	seq.s32 s5, $0x0;
	s5 =	sld [smem:$0x3FA7]  }
0x2b: {  	s6 =	sld [smem:$0x3FA8]  }
0x2c: {  	s7 =	sld [smem:$0x3FA9]  }
0x2d: {  	s3 =	simm.s32 $0x108;
	s8 =	sld [smem:$0x3FAA]  }
0x2e: {  	s3 =	simm.s32 @!p0 $0x1082;
	s9 =	sld [smem:$0x3FAB]  }
0x2f: {  	lr =	sadd.s32 s0, s3;
	s0 =	sld [smem:$0x3FA2]  }
0x30: {  	s3 =	sld [smem:$0x3FA5]  }
0x31: {  	[smem:$0x3FAE] =	sst s10  }
0x32: {  	s10 =	sld [smem:$0x3FAC];
	_ =	sdelay $0x3  }
0x33: {  	p0 =	seq.s32 s10, $0x1;
	s10 =	sld [smem:$0x3FAE];
	_ =	sdelay $0x3  }
0x34: {  	[smem:$0x3FAE] =	sst s10  }
0x35: {  	s10 =	sld [smem:$0x3FAD];
	_ =	sdelay $0x3  }
0x36: {  	p1 =	seq.s32 s10, $0x1;
	s10 =	sld [smem:$0x3FAE];
	_ =	sdelay $0x3  }
0x37: {  	[smem:$0x3FAE] =	sst s10  }
0x38: {  	s10 =	sld [smem:$0x3FAF]  }
0x39: {  	_ = 	snop;
	(pc) =	sbr.ind lr, $3  }
0x3a: {  	_ = 	snop  }
0x3b: {  	_ = 	snop  }
0x3c: {  	p2 =	seq.s32 s10, $0x1;
	s10 =	sld [smem:$0x3FAE]  }
0x3d: {  	_ =	shalt  }
0x3e: {  	_ =	shalt  }
0x3f: {  	_ =	shalt  }
0x40: {  	_ =	shalt  }
0x41: {  	_ =	shalt  }
0x42: {  	_ =	shalt  }
0x43: {  	_ =	shalt  }
0x44: {  	_ =	shalt  }
0x45: {  	_ =	shalt  }
0x46: {  	_ =	shalt  }
0x47: {  	_ =	shalt  }
0x48: {  	_ =	shalt  }
0x49: {  	_ =	shalt  }
0x4a: {  	_ =	shalt  }
0x4b: {  	_ =	shalt  }
0x4c: {  	_ =	shalt  }
0x4d: {  	_ =	shalt  }
0x4e: {  	_ =	shalt  }
0x4f: {  	_ =	shalt  }
0x50: {  	_ =	shalt  }
0x51: {  	_ =	shalt  }
0x52: {  	_ =	shalt  }
0x53: {  	_ =	shalt  }
0x54: {  	_ =	shalt  }
0x55: {  	_ =	shalt  }
0x56: {  	_ =	shalt  }
0x57: {  	_ =	shalt  }
0x58: {  	_ =	shalt  }
0x59: {  	_ =	shalt  }
0x5a: {  	_ =	shalt  }
0x5b: {  	_ =	shalt  }
0x5c: {  	_ =	shalt  }
0x5d: {  	_ =	shalt  }
0x5e: {  	_ =	shalt  }
0x5f: {  	_ =	shalt  }
0x60: {  	_ =	shalt  }
0x61: {  	_ =	shalt  }
0x62: {  	_ =	shalt  }
0x63: {  	_ =	shalt  }
0x64: {  	_ =	shalt  }
0x65: {  	_ =	shalt  }
0x66: {  	_ =	shalt  }
0x67: {  	_ =	shalt  }
0x68: {  	_ =	shalt  }
0x69: {  	_ =	shalt  }
0x6a: {  	_ =	shalt  }
0x6b: {  	_ =	shalt  }
0x6c: {  	_ =	shalt  }
0x6d: {  	_ =	shalt  }
0x6e: {  	_ =	shalt  }
0x6f: {  	_ =	shalt  }
0x70: {  	_ =	shalt  }
0x71: {  	_ =	shalt  }
0x72: {  	_ =	shalt  }
0x73: {  	_ =	shalt  }
0x74: {  	_ =	shalt  }
0x75: {  	_ =	shalt  }
0x76: {  	_ =	shalt  }
0x77: {  	_ =	shalt  }
0x78: {  	_ =	shalt  }
0x79: {  	_ =	shalt  }
0x7a: {  	_ =	shalt  }
0x7b: {  	_ =	shalt  }
0x7c: {  	_ =	shalt  }
0x7d: {  	_ =	shalt  }
0x7e: {  	_ =	shalt  }
0x7f: {  	_ =	shalt  }
0x80: {  	_ =	shalt  }
0x81: {  	_ =	shalt  }
0x82: {  	_ =	shalt  }
0x83: {  	_ =	shalt  }
0x84: {  	_ =	shalt  }
0x85: {  	_ =	shalt  }
0x86: {  	_ =	shalt  }
0x87: {  	_ =	shalt  }
.Lfunc_end0:
.L_simem_size_0:
called_computation.1_lowered:
.L_overlay_start_0:
0x88: {  	s2 =	sld [smem:$0x3FD9]  }
0x89: {  	s3 =	sld [smem:$0x3FFE];
	_ =	sdelay $0x1  }
0x8a: {  	s1 =	srdreg.scid  }
0x8b: {  	s0 =	sand.u32 $0x1, s1  }
0x8c: {  	s16 =	sshll.u32 s0, $0xA;
	s2 =	sadd.s32 s3, s2  }
0x8d: {  	s2 =	sadd.s32 s2, s16  }
0x8e: {  	[smem:$0x3FBA] =	sst s2  }
0x8f: {  	_ = 	snop  }
0x90: {  	(tm) =	ssettm $0x1  }
0x91: {  	s17 =	sld [smem:$0x3FFB];
	_ =	sdelay $0x3  }
0x92: {  	_ =	strace s17  }
0x93: {  	s2 =	sld [smem:$0x3FFC];
	_ =	sdelay $0x3  }
0x94: {  	_ =	strace s2  }
0x95: {  	s2 =	sld [smem:$0x3FFD];
	_ =	sdelay $0x3  }
0x96: {  	_ =	strace s2  }
0x97: {  	_ =	strace $0x8FFFFFFF  }
0x98: {  	s18 =	sld [smem:$0x3FDB];
	_ =	sdelay $0x1  }
0x99: {  	s19 =	simm.s32 $_scs_section_size  }
0x9a: {  	s4 =	simm.s32 $_size__tile_overlayer_lowered;
	s5 =	simm.s32 $_tile_overlayer_lowered  }
0x9b: {  	s22 =	simm.s32 $0x1BFF;
	s21 =	sshll.u32 s5, $0x1;
	s2 =	sadd.s32 s19, s18  }
0x9c: {  	s6 =	simm.s32 $0x0;
	s20 =	sshll.u32 s4, $0x1;
	s4 =	sadd.s32 s21, s2  }
0x9d: {  	[timem:s6], [sflag:s22] =	dma.local [hbm:s4], s20  }
0x9e: {  	_ =	swait.ge [sflag:s22], s20  }
0x9f: {  	s3 =	ssub.s32 $0x0, s20;
	[sflag:s22] =	ssyncset.done $0x0  }
0xa0: {  	[sflag:s22] =	ssyncadd.s32 s3;
	_ =	sdelay $0x1  }
0xa1: {  	s23 =	simm.s32 $0x1B8B  }
0xa2: {  	_ =	swait.ge [sflag:s23], $0x1  }
0xa3: {  	[sflag:s23] =	ssyncset.done $0x0  }
0xa4: {  	s25 =	simm.s32 $0x1B8E;
	s24 =	sld [smem:$0x3FFE];
	[sflag:s23] =	ssyncadd.s32 $0xFFFFFFFF  }
0xa5: {  	s26 =	simm.s32 $execute0_lowered;
	[smem:$0x3FD2] =	sst s25  }
0xa6: {  	s4 =	sshll.u32 s26, $0x1;
	_ =	strace $0x80000049;
	[dreg:$0x1] =	wrdreg $0xFFFFFFFF  }
0xa7: {  	s28 =	simm.s32 $_size_execute0_lowered;
	s2 =	sadd.s32 s2, s4;
	[dreg:$0x0] =	wrdreg $0x0  }
0xa8: {  	s4 =	sshll.u32 s28, $0x1;
	[dreg:$0x2] =	wrdreg s2  }
0xa9: {  	[dreg:$0x3] =	wrdreg s4  }
0xaa: {  	[dreg:$0x4] =	wrdreg $0xC0  }
0xab: {  	_ =	task [dreg:s6], $0x5FFFF  }
0xac: {  	[dreg:$0x1] =	wrdreg $0xFFFFFFFF  }
0xad: {  	[dreg:$0x0] =	wrdreg $0x60  }
0xae: {  	[dreg:$0x2] =	wrdreg s24  }
0xaf: {  	[dreg:$0x3] =	wrdreg $0x9  }
0xb0: {  	_ =	task.clear_ibuf [dreg:s6], $0x4FFFF;
	_ =	strace $0x90000049  }
0xb1: {  	s29 =	simm.s32 $0x9;
	_ =	strace $0x8000004B  }
0xb2: {  	_ =	swait.ge [sflag:s29], $0x1  }
0xb3: {  	[sflag:s29] =	ssyncadd.s32 $0xFFFFFFFF  }
0xb4: {  	_ =	strace $0x9000004B  }
0xb5: {  	_ =	sfence  }
0xb6: {  	s30 =	sld [smem:$0x0];
	_ =	sdelay $0x2  }
0xb7: {  	s31 =	sshll.u32 s1, $0xD;
	s1 =	sshrl.u32 s1, $0x2  }
0xb8: {  	s3 =	sand.u32 $0x4000, s31;
	s1 =	sadd.s32 s1, s30  }
0xb9: {  	s0 =	sor.u32 s3, s0;
	s1 =	sshll.u32 s1, $0x11  }
0xba: {  	s0 =	sor.u32 s1, s0  }
0xbb: {  	s0 =	sadd.s32 $0x8F2B, s0  }
0xbc: {  	[sflag:s0] =	ssyncadd.remote.s32 $0x1  }
0xbd: {  	_ =	sfence.sel $0xFFFF  }
0xbe: {  	[dreg:$0x0] =	wrdreg $0xFFFFFFFF;
	(pc) =	sbr.abs _section_cstart, $3  }
0xbf: {  	[dreg:$0x1] =	wrdreg $0xFFFFFFFF  }
0xc0: {  	_ =	task.clear_ibuf [dreg:s6], $0x2FFFF;
	_ =	strace $0x9FFFFFFF  }
0xc1: {  	(tm) =	ssettm $0x7FFFFFFF  }
tec
execute0_lowered:
.L_overlay_start_1:
0x0: {  	(tag) =	ssettag $0x1  }
0x1: {  	s1 =	srdreg.scid  }
0x2: {  	s0 =	stileid.u32;
	s6 =	sand.u32 $0x1, s1  }
0x3: {  	s31 =	sshll.u32 s0, $0x4;
	s3 =	sshll.u32 s6, $0x3  }
0x4: {  	s2 =	rddreg [dreg:$0x0];
	s9 =	sor.u32 s3, s31  }
0x5: {  	s1 =	rddreg [dreg:$0x1];
	s3 =	simm.s32 $0x0;
	s4 =	sshrl.u32 s9, $0x3  }
0x6: {  	s10 =	ssub.s32 $0x2, s6;
	[smem:$0x7FF] =	sst s3;
	s4 =	sadd.s32 s4, s2  }
0x7: {  	_ =	strace $0x8000004A;
	s5 =	sadd.s32 $0x40000, s4;
	s4 =	simm.s32 $0x2  }
0x8: {  	[tilespmem:s3], [sflag:$0x2] =	stream.linear.gather [hbm4b:s5+s3], $0x8, $0x38;
	[tilespmem:$0x2080] =	vst v63  }
0x9: {  	s7 =	simm.s32 $0x80;
	s11 =	sshrl.u32 s10, $0x1;
	_ =	swait.ge [sflag:s4], $0x8  }
0xa: {  	s8 =	simm.s32 $0x1;
	s10 =	ssub.s32 s10, s11;
	[sflag:s4] =	ssyncset.done $0x0  }
0xb: {  	s6 =	simm.s32 $0x8;
	s10 =	smax.u32 s10, $0x1;
	[sflag:s4] =	ssyncadd.s32 $0xFFFFFFF8  }
0xc: {  	[tilespmem:s7], [sflag:$0x1] =	stream.indirect.gather [hbm4b:s2+s6], $0x400, s3, s6, $0xb8;
	[tilespmem:$0x2080] =	vst v63  }
0xd: {  	s9 =	sshll.u32 s9, $0x7;
	p0 =	sne.s32 s10, $0x1;
	_ =	swait.ge [sflag:s8], $0x2000  }
.Ltmp0:
0xe: {  	s9 =	sadd.s32 s9, s2;
	[sflag:s8] =	ssyncset.done $0x0;
	(pc) =	sbr.rel @!p0 .LBB2_2-.Ltmp0, $4  }
0xf: {  	s9 =	sadd.s32 $0x40200, s9;
	[sflag:s8] =	ssyncadd.s32 $0xFFFFE000  }
0x10: {  	[hbm4b:s9+s3] =	stream.linear.scatter [tilespmem:s7], [sflag:$0x2], $0x2000, $0x38;
	[tilespmem:$0x2080] =	vst v63  }
0x11: {  	_ =	swait.ge [sflag:s4], $0x2000  }
0x12: {  	s10 =	sadd.s32 $0xFFFFFFFF, s10;
	[sflag:s4] =	ssyncset.done $0x0  }
.LBB2_1:
0x13: {  	p0 =	sne.s32 s10, $0x1;
	s10 =	sadd.s32 $0xFFFFFFFF, s10;
	[sflag:s4] =	ssyncadd.s32 $0xFFFFE000  }
0x14: {  	[tilespmem:s3], [sflag:$0x2] =	stream.linear.gather [hbm4b:s5+s3], $0x8, $0x38;
	[tilespmem:$0x2080] =	vst v63  }
0x15: {  	_ =	swait.ge [sflag:s4], $0x8  }
0x16: {  	[sflag:s4] =	ssyncset.done $0x0  }
0x17: {  	[sflag:s4] =	ssyncadd.s32 $0xFFFFFFF8  }
0x18: {  	[tilespmem:s7], [sflag:$0x1] =	stream.indirect.gather [hbm4b:s2+s6], $0x400, s3, s6, $0xb8;
	[tilespmem:$0x2080] =	vst v63  }
0x19: {  	_ =	swait.ge [sflag:s8], $0x2000  }
.Ltmp1:
0x1a: {  	[sflag:s8] =	ssyncset.done $0x0;
	(pc) =	sbr.rel @p0 .LBB2_1-.Ltmp1, $4  }
0x1b: {  	[sflag:s8] =	ssyncadd.s32 $0xFFFFE000  }
0x1c: {  	[hbm4b:s9+s3] =	stream.linear.scatter [tilespmem:s7], [sflag:$0x2], $0x2000, $0x38;
	[tilespmem:$0x2080] =	vst v63  }
0x1d: {  	_ =	swait.ge [sflag:s4], $0x2000  }
0x1e: {  	[sflag:s4] =	ssyncset.done $0x0  }
.LBB2_2:
0x1f: {  	[sflag:s4] =	ssyncadd.s32 $0xFFFFE000  }
0x20: {  	_ =	sfence.sel $0x180000  }
0x21: {  	[bflag:$0x0] =	sbarrier.arrive $0xFFFF  }
0x22: {  	p0 =	sne.s32 s0, $0x0;
	_ =	strace $0x9000004A  }
0x23: {  	s0 =	sadd.s32 @!p0 $0x100000, s1;
	[bflag:$0x2] =	sbarrier.arrive $0xFFFF  }
0x24: {  	[sflag:s0] =	ssyncadd.tile.s32 @!p0 $0x1;
	_ =	shalt  }
.Lfunc_end2:
_tile_overlayer_lowered:
.L_overlay_start_2:
0x25: {  	(tag) =	ssettag $0x2  }
0x26: {  	s0 =	rddreg [dreg:$0x0];
	s2 =	stileid.u32  }
0x27: {  	s1 =	rddreg [dreg:$0x1];
	p0 =	sne.s32 s2, $0x0  }
0x28: {  	s3 =	rddreg [dreg:$0x2];
	[bflag:$0x3] =	sbarrier.arrive $0xFFFF;
	s2 =	simm.s32 @!p0 $0x1C02  }
0x29: {  	[timem:s3], [sflag:s2] =	dma.local @!p0 [hbm:s0], s1  }
0x2a: {  	s0 =	simm.s32 @!p0 $0x2  }
0x2b: {  	_ =	swait.ge @!p0 [sflag:s0], s1  }
0x2c: {  	s1 =	ssub.s32 @!p0 $0x0, s1;
	[sflag:s0] =	ssyncset.done @!p0 $0x0  }
0x2d: {  	[sflag:s0] =	ssyncadd.s32 @!p0 s1  }
0x2e: {  	[bflag:$0x3] =	sbarrier.arrive $0xFFFF  }
0x2f: {  	_ =	shalt  }

</sc_bundles>
